<compile_context>
chip_gen: v7x
topology: tpu7x:2x2x1
jax: 0.10.2.dev20260603
libtpu: 0.0.44.dev20260713+nightly
codegen_flags: <defaults>
</compile_context>

<pallas_src>
import functools

import jax
import jax.numpy as jnp
from jax import lax
from jax.experimental import pallas as pl
from jax.experimental.pallas import tpu as pltpu
from jax.experimental.pallas import tpu_sc as plsc

NC = 2
NS = 16
CH = 128


@functools.cache
def _mesh():
    return plsc.VectorSubcoreMesh(core_axis_name="c", subcore_axis_name="s",
                                  num_cores=NC, num_subcores=NS)


def _pad_up(v, m):
    return (v + m - 1) // m * m




def _sc_degrees(srcr, dstr, n_pad):
    nch = srcr.shape[1]
    zr = n_pad // NS

    @functools.partial(
        pl.kernel,
        out_type=jax.ShapeDtypeStruct((NC, 2, n_pad), jnp.float32),
        mesh=_mesh(),
        scratch_types=[
            pltpu.VMEM((nch, CH), jnp.int32),
            pltpu.VMEM((nch, CH), jnp.int32),
            pltpu.VMEM((CH,), jnp.float32),
            pltpu.VMEM((zr,), jnp.float32),
            pltpu.VMEM_SHARED((n_pad,), jnp.float32),
            pltpu.VMEM_SHARED((n_pad,), jnp.float32),
        ],
    )
    def deg_kernel(src_hbm, dst_hbm, out_hbm, idx_s, idx_d, ones, zb,
                   dego, degi):
        cid = lax.axis_index("c")
        sid = lax.axis_index("s")
        w = cid * NS + sid
        pltpu.sync_copy(src_hbm.at[w], idx_s)
        pltpu.sync_copy(dst_hbm.at[w], idx_d)

        def fill(i, _):
            ones[pl.ds(i * 16, 16)] = jnp.ones((16,), jnp.float32)
            return 0

        lax.fori_loop(0, CH // 16, fill, 0)

        def zfill(i, _):
            zb[pl.ds(i * 16, 16)] = jnp.zeros((16,), jnp.float32)
            return 0

        lax.fori_loop(0, zr // 16, zfill, 0)
        pltpu.sync_copy(zb, dego.at[pl.ds(sid * zr, zr)])
        pltpu.sync_copy(zb, degi.at[pl.ds(sid * zr, zr)])
        plsc.subcore_barrier()

        def body(j, _):
            pltpu.sync_copy(ones, dego.at[idx_s.at[j]], add=True)
            pltpu.sync_copy(ones, degi.at[idx_d.at[j]], add=True)
            return 0

        lax.fori_loop(0, nch, body, 0)
        plsc.subcore_barrier()
        sl = pl.ds(sid * zr, zr)
        pltpu.sync_copy(dego.at[sl], out_hbm.at[cid, 0, sl])
        pltpu.sync_copy(degi.at[sl], out_hbm.at[cid, 1, sl])

    return deg_kernel(srcr, dstr)



def _sc_aggregate(h, srcr, dstr, n_pad, feat, k0):
    nch = srcr.shape[1]
    nl = max(k0, nch - k0)
    zr = n_pad // NS
    nzb = zr // CH

    @functools.partial(
        pl.kernel,
        out_type=jax.ShapeDtypeStruct((NC, n_pad, feat), jnp.float32),
        mesh=_mesh(),
        scratch_types=[
            pltpu.VMEM((nl, CH), jnp.int32),
            pltpu.VMEM((nl, CH), jnp.int32),
            pltpu.VMEM((CH, feat), jnp.float32),
            pltpu.VMEM_SHARED((n_pad, feat), jnp.float32),
            pltpu.SemaphoreType.DMA,
        ],
    )
    def agg_kernel(h_hbm, src_hbm, dst_hbm, out_hbm, idx_s, idx_d, rows,
                   acc, sem):
        cid = lax.axis_index("c")
        sid = lax.axis_index("s")
        start = pl.multiple_of(jnp.where(cid == 0, 0, nch - nl), 8)
        pltpu.sync_copy(src_hbm.at[sid, pl.ds(start, nl)], idx_s)
        pltpu.sync_copy(dst_hbm.at[sid, pl.ds(start, nl)], idx_d)

        def zrow(i, _):
            for cc in range(feat // 16):
                rows[i, pl.ds(cc * 16, 16)] = jnp.zeros((16,), jnp.float32)
            return 0

        lax.fori_loop(0, CH, zrow, 0)
        for b in range(nzb):
            pltpu.sync_copy(rows, acc.at[pl.ds(sid * zr + b * CH, CH)])
        plsc.subcore_barrier()

        def body(j, _):
            pltpu.async_copy(h_hbm.at[idx_s.at[j]], rows, sem).wait()
            pltpu.sync_copy(rows, acc.at[idx_d.at[j]], add=True)
            return 0

        lo = jnp.where(cid == 0, 0, k0 - (nch - nl))
        hi = jnp.where(cid == 0, k0, nl)
        lax.fori_loop(lo, hi, body, 0)
        plsc.subcore_barrier()
        sl = pl.ds(sid * zr, zr)
        pltpu.sync_copy(acc.at[sl], out_hbm.at[cid, sl])

    return agg_kernel(h, srcr, dstr)



_BLK = 2000


def _norm(deg2):
    return lax.rsqrt(jnp.maximum(deg2[:, 0] + deg2[:, 1], 1.0))


def _tc1(x, w1, dego):
    n, f = x.shape

    def body(x_ref, w_ref, dg_ref, h_ref):
        ns = _norm(dg_ref[...])
        h = jnp.dot(x_ref[...], w_ref[...],
                    preferred_element_type=jnp.float32,
                    precision=lax.Precision.HIGHEST)
        h_ref[...] = h * ns[:, None]

    return pl.pallas_call(
        body,
        grid=(n // _BLK,),
        in_specs=[
            pl.BlockSpec((_BLK, f), lambda i: (i, 0)),
            pl.BlockSpec((f, f), lambda i: (0, 0)),
            pl.BlockSpec((_BLK, 2), lambda i: (i, 0)),
        ],
        out_specs=pl.BlockSpec((_BLK, f), lambda i: (i, 0)),
        out_shape=jax.ShapeDtypeStruct((n, f), jnp.float32),
    )(x, w1, dego)


def _tc2(agg1, dego, degi, b1, w2p, n):
    f = agg1.shape[2]
    cp = w2p.shape[1]

    def body(a_ref, dgo_ref, dgi_ref, b1_ref, w2_ref, z_ref):
        nd = _norm(dgi_ref[...])
        ns = _norm(dgo_ref[...])
        h2 = (a_ref[0] + a_ref[1]) * nd[:, None] + b1_ref[...]
        h2 = jnp.maximum(h2, 0.0) * ns[:, None]
        z_ref[...] = jnp.dot(h2, w2_ref[...],
                             preferred_element_type=jnp.float32,
                             precision=lax.Precision.HIGHEST)

    return pl.pallas_call(
        body,
        grid=(n // _BLK,),
        in_specs=[
            pl.BlockSpec((NC, _BLK, f), lambda i: (0, i, 0)),
            pl.BlockSpec((_BLK, 2), lambda i: (i, 0)),
            pl.BlockSpec((_BLK, 2), lambda i: (i, 0)),
            pl.BlockSpec((1, f), lambda i: (0, 0)),
            pl.BlockSpec((f, cp), lambda i: (0, 0)),
        ],
        out_specs=pl.BlockSpec((_BLK, cp), lambda i: (i, 0)),
        out_shape=jax.ShapeDtypeStruct((n, cp), jnp.float32),
    )(agg1, dego, degi, b1, w2p)


def _tc3(agg2, degi, b2p, n):
    cp = agg2.shape[2]

    def body(a_ref, dgi_ref, b2_ref, o_ref):
        nd = _norm(dgi_ref[...])
        o_ref[...] = (a_ref[0] + a_ref[1]) * nd[:, None] + b2_ref[...]

    return pl.pallas_call(
        body,
        grid=(n // _BLK,),
        in_specs=[
            pl.BlockSpec((NC, _BLK, cp), lambda i: (0, i, 0)),
            pl.BlockSpec((_BLK, 2), lambda i: (i, 0)),
            pl.BlockSpec((1, cp), lambda i: (0, 0)),
        ],
        out_specs=pl.BlockSpec((_BLK, cp), lambda i: (i, 0)),
        out_shape=jax.ShapeDtypeStruct((n, cp), jnp.float32),
    )(agg2, degi, b2p)




def kernel(x, edge_index, W1, b1, W2, b2):
    n, f = x.shape
    e = edge_index.shape[1]
    c = W2.shape[1]
    cp = _pad_up(c, 128)
    n_pad = _pad_up(n + 1, NS * CH)

    src = edge_index[0].astype(jnp.int32)
    dst = edge_index[1].astype(jnp.int32)
    e_pad = _pad_up(e, NS * CH * 8)
    src = jnp.concatenate([src, jnp.zeros((e_pad - e,), jnp.int32)])
    dst = jnp.concatenate([dst, jnp.full((e_pad - e,), n, jnp.int32)])
    nch = e_pad // (NC * NS * CH)
    srcr = src.reshape(NC * NS, nch, CH)
    dstr = dst.reshape(NC * NS, nch, CH)
    nch16 = e_pad // (NS * CH)
    srcr16 = src.reshape(NS, nch16, CH)
    dstr16 = dst.reshape(NS, nch16, CH)
    k0 = nch16 - ((nch16 * 3) // 8) // 8 * 8

    degp = _sc_degrees(srcr, dstr, n_pad)
    dego = degp[:, 0, :].T
    degi = degp[:, 1, :].T

    h = _tc1(x, W1, dego)
    agg1 = _sc_aggregate(h, srcr16, dstr16, n_pad, f, k0)

    w2p = jnp.zeros((f, cp), jnp.float32).at[:, :c].set(W2)
    b2p = jnp.zeros((1, cp), jnp.float32).at[0, :c].set(b2)
    z = _tc2(agg1, dego, degi, b1.reshape(1, f), w2p, n)
    agg2 = _sc_aggregate(z, srcr16, dstr16, n_pad, cp, k0)

    out = _tc3(agg2, degi, b2p, n)
    return out[:, :c]

# --- scband reference (transcript-rebuilt; emitter-appended) ---
"""Pipeline reference for scband-gcn-82197084110895 (READ-ONLY COPY).

The authoritative reference and input builder live on the scoring server;
editing this copy changes nothing except your own understanding.
"""

import jax, jax.numpy as jnp
import numpy as np

N_NODES = 10000
N_EDGES = 320000
IN_FEATS = 128
H_FEATS = 128
NUM_CLASSES = 40


def setup_inputs(seed: int = 0) -> dict:
    key = jax.random.key(seed)
    k1, k2, k3, k4, k5, k6 = jax.random.split(key, 6)
    x = jax.random.normal(k1, (N_NODES, IN_FEATS), dtype=jnp.float32)
    edge_index = jax.random.randint(k2, (2, N_EDGES), 0, N_NODES, dtype=jnp.int64)
    # GraphConv layer params (Glorot-style init)
    W1 = jax.random.normal(k3, (IN_FEATS, H_FEATS), dtype=jnp.float32) * (1.0 / np.sqrt(IN_FEATS))
    b1 = jnp.zeros((H_FEATS,), dtype=jnp.float32)
    W2 = jax.random.normal(k4, (H_FEATS, NUM_CLASSES), dtype=jnp.float32) * (1.0 / np.sqrt(H_FEATS))
    b2 = jnp.zeros((NUM_CLASSES,), dtype=jnp.float32)
    return {"x": x, "edge_index": edge_index, "W1": W1, "b1": b1, "W2": W2, "b2": b2}


def _graph_conv_both(h, W, b, src, dst, norm_src, norm_dst, n_nodes):
    # DGL GraphConv with norm='both':
    # out = D_in^{-1/2} * A^T * (D_out^{-1/2} * h) * W + b
    h = h * norm_src[:, None]
    h = h @ W
    msgs = h[src]                                   # gather (SparseCore)
    agg = jax.ops.segment_sum(msgs, dst, num_segments=n_nodes)  # scatter-add
    agg = agg * norm_dst[:, None]
    return agg + b


def reference(x, edge_index, W1, b1, W2, b2):
    n_nodes = x.shape[0]
    src = edge_index[0]
    dst = edge_index[1]
    deg_out = jnp.bincount(src, length=n_nodes).astype(jnp.float32)
    deg_in = jnp.bincount(dst, length=n_nodes).astype(jnp.float32)
    norm_src = jnp.clip(deg_out, 1.0, None) ** -0.5
    norm_dst = jnp.clip(deg_in, 1.0, None) ** -0.5
    h = _graph_conv_both(x, W1, b1, src, dst, norm_src, norm_dst, n_nodes)
    h = jax.nn.relu(h)
    out = _graph_conv_both(h, W2, b2, src, dst, norm_src, norm_dst, n_nodes)
    return out

if __name__ == "__main__":
    import jax
    _d = setup_inputs()
    print(jax.jit(kernel)(*tuple(_d.values())))

</pallas_src>

<mosaic_0001>
#map = affine_map<(d0, d1) -> (0, 0, 0)>
module attributes {stable_mosaic.version = 14 : i64} {
  func.func @deg_kernel(%arg0: i32, %arg1: i32, %arg2: memref<32x80x128xi32, #tpu.memory_space<hbm>>, %arg3: memref<32x80x128xi32, #tpu.memory_space<hbm>>, %arg4: memref<2x2x10240xf32, #tpu.memory_space<hbm>>, %arg5: memref<80x128xi32, #tpu.memory_space<vmem>>, %arg6: memref<80x128xi32, #tpu.memory_space<vmem>>, %arg7: memref<128xf32, #tpu.memory_space<vmem>>, %arg8: memref<640xf32, #tpu.memory_space<vmem>>, %arg9: memref<10240xf32, #tpu.memory_space<vmem_shared>>, %arg10: memref<10240xf32, #tpu.memory_space<vmem_shared>>) attributes {dimension_semantics = [#tpu.dimension_semantics<core_parallel>, #tpu.dimension_semantics<subcore_parallel>], iteration_bounds = array<i64: 2, 16>, scalar_prefetch = 0 : i64, scratch_operands = 6 : i64, tpu.core_type = #tpu.core_type<sc_vector_subcore>, window_params = [{transform_indices = #map}, {transform_indices = #map}, {transform_indices = #map}]} {
    %mul3A = arith.constant 16 : i32
    %mul3A_0 = arith.muli %arg0, %mul3A : i32
    %add3A = arith.addi %mul3A_0, %arg1 : i32
    "tpu.region"() ({
      %run_scoped3A_29 = tpu.sem_alloc : memref<!tpu.dma_semaphore, #tpu.memory_space<semaphore_mem>>
      %dma_start3A = arith.constant 0 : i32
      %dma_start3A_30 = arith.constant 0 : i32
      %dma_start3A_31 = tpu.memref_slice %arg2[%add3A, %dma_start3A, %dma_start3A_30] : memref<32x80x128xi32, #tpu.memory_space<hbm>> -> memref<1x80x128xi32, #tpu.memory_space<hbm>>
      %dma_start3A_32 = tpu.memref_squeeze %dma_start3A_31 : memref<1x80x128xi32, #tpu.memory_space<hbm>> -> memref<80x128xi32, #tpu.memory_space<hbm>>
      %dma_start3A_33 = arith.constant 0 : i32
      %dma_start3A_34 = arith.constant 0 : i32
      %dma_start3A_35 = tpu.memref_slice %arg2[%add3A, %dma_start3A_33, %dma_start3A_34] : memref<32x80x128xi32, #tpu.memory_space<hbm>> -> memref<1x80x128xi32, #tpu.memory_space<hbm>>
      %dma_start3A_36 = tpu.memref_squeeze %dma_start3A_35 : memref<1x80x128xi32, #tpu.memory_space<hbm>> -> memref<80x128xi32, #tpu.memory_space<hbm>>
      tpu.enqueue_dma source(%dma_start3A_36 : memref<80x128xi32, #tpu.memory_space<hbm>>) target(%arg5 : memref<80x128xi32, #tpu.memory_space<vmem>>) target_semaphore(%run_scoped3A_29 : memref<!tpu.dma_semaphore, #tpu.memory_space<semaphore_mem>>)
      %dma_wait3A = arith.constant 0 : i32
      %dma_wait3A_37 = arith.constant 0 : i32
      %dma_wait3A_38 = tpu.memref_slice %arg2[%add3A, %dma_wait3A, %dma_wait3A_37] : memref<32x80x128xi32, #tpu.memory_space<hbm>> -> memref<1x80x128xi32, #tpu.memory_space<hbm>>
      %dma_wait3A_39 = tpu.memref_squeeze %dma_wait3A_38 : memref<1x80x128xi32, #tpu.memory_space<hbm>> -> memref<80x128xi32, #tpu.memory_space<hbm>>
      %dma_wait3A_40 = arith.constant 0 : i32
      %dma_wait3A_41 = arith.constant 0 : i32
      %dma_wait3A_42 = tpu.memref_slice %arg2[%add3A, %dma_wait3A_40, %dma_wait3A_41] : memref<32x80x128xi32, #tpu.memory_space<hbm>> -> memref<1x80x128xi32, #tpu.memory_space<hbm>>
      %dma_wait3A_43 = tpu.memref_squeeze %dma_wait3A_42 : memref<1x80x128xi32, #tpu.memory_space<hbm>> -> memref<80x128xi32, #tpu.memory_space<hbm>>
      tpu.wait_dma2 semaphore(%run_scoped3A_29 : memref<!tpu.dma_semaphore, #tpu.memory_space<semaphore_mem>>) src(%dma_wait3A_43 : memref<80x128xi32, #tpu.memory_space<hbm>>) dst(%arg5 : memref<80x128xi32, #tpu.memory_space<vmem>>)
      tpu.yield
    }) : () -> ()
    "tpu.region"() ({
      %run_scoped3A_29 = tpu.sem_alloc : memref<!tpu.dma_semaphore, #tpu.memory_space<semaphore_mem>>
      %dma_start3A = arith.constant 0 : i32
      %dma_start3A_30 = arith.constant 0 : i32
      %dma_start3A_31 = tpu.memref_slice %arg3[%add3A, %dma_start3A, %dma_start3A_30] : memref<32x80x128xi32, #tpu.memory_space<hbm>> -> memref<1x80x128xi32, #tpu.memory_space<hbm>>
      %dma_start3A_32 = tpu.memref_squeeze %dma_start3A_31 : memref<1x80x128xi32, #tpu.memory_space<hbm>> -> memref<80x128xi32, #tpu.memory_space<hbm>>
      %dma_start3A_33 = arith.constant 0 : i32
      %dma_start3A_34 = arith.constant 0 : i32
      %dma_start3A_35 = tpu.memref_slice %arg3[%add3A, %dma_start3A_33, %dma_start3A_34] : memref<32x80x128xi32, #tpu.memory_space<hbm>> -> memref<1x80x128xi32, #tpu.memory_space<hbm>>
      %dma_start3A_36 = tpu.memref_squeeze %dma_start3A_35 : memref<1x80x128xi32, #tpu.memory_space<hbm>> -> memref<80x128xi32, #tpu.memory_space<hbm>>
      tpu.enqueue_dma source(%dma_start3A_36 : memref<80x128xi32, #tpu.memory_space<hbm>>) target(%arg6 : memref<80x128xi32, #tpu.memory_space<vmem>>) target_semaphore(%run_scoped3A_29 : memref<!tpu.dma_semaphore, #tpu.memory_space<semaphore_mem>>)
      %dma_wait3A = arith.constant 0 : i32
      %dma_wait3A_37 = arith.constant 0 : i32
      %dma_wait3A_38 = tpu.memref_slice %arg3[%add3A, %dma_wait3A, %dma_wait3A_37] : memref<32x80x128xi32, #tpu.memory_space<hbm>> -> memref<1x80x128xi32, #tpu.memory_space<hbm>>
      %dma_wait3A_39 = tpu.memref_squeeze %dma_wait3A_38 : memref<1x80x128xi32, #tpu.memory_space<hbm>> -> memref<80x128xi32, #tpu.memory_space<hbm>>
      %dma_wait3A_40 = arith.constant 0 : i32
      %dma_wait3A_41 = arith.constant 0 : i32
      %dma_wait3A_42 = tpu.memref_slice %arg3[%add3A, %dma_wait3A_40, %dma_wait3A_41] : memref<32x80x128xi32, #tpu.memory_space<hbm>> -> memref<1x80x128xi32, #tpu.memory_space<hbm>>
      %dma_wait3A_43 = tpu.memref_squeeze %dma_wait3A_42 : memref<1x80x128xi32, #tpu.memory_space<hbm>> -> memref<80x128xi32, #tpu.memory_space<hbm>>
      tpu.wait_dma2 semaphore(%run_scoped3A_29 : memref<!tpu.dma_semaphore, #tpu.memory_space<semaphore_mem>>) src(%dma_wait3A_43 : memref<80x128xi32, #tpu.memory_space<hbm>>) dst(%arg6 : memref<80x128xi32, #tpu.memory_space<vmem>>)
      tpu.yield
    }) : () -> ()
    %scan3A = arith.constant 0 : i32
    %scan3A_1 = arith.constant 0 : i32
    %scan3A_2 = arith.constant 8 : i32
    %scan3A_3 = arith.addi %scan3A_1, %scan3A_2 : i32
    %scan3A_4 = arith.constant 1 : i32
    %scan3A_5 = scf.for %scan3A_29 = %scan3A_1 to %scan3A_3 step %scan3A_4 iter_args(%scan3A_30 = %scan3A) -> (i32)  : i32 {
      %broadcast_in_dim3A = arith.constant 1.000000e+00 : f32
      %broadcast_in_dim3A_31 = vector.broadcast %broadcast_in_dim3A : f32 to vector<16xf32>
      %mul3A_32 = arith.constant 16 : i32
      %mul3A_33 = arith.muli %scan3A_29, %mul3A_32 : i32
      %swap3A = arith.index_cast %mul3A_33 : i32 to index
      %swap3A_34 = tpu.vector_load %arg7[%swap3A] {strides = array<i32>} : memref<128xf32, #tpu.memory_space<vmem>>, vector<16xf32>,
      %swap3A_35 = vector.shape_cast %swap3A_34 : vector<16xf32> to vector<16xf32>
      %swap3A_36 = vector.shape_cast %broadcast_in_dim3A_31 : vector<16xf32> to vector<16xf32>
      tpu.vector_store %arg7[%swap3A], %swap3A_36 {strides = array<i32>} : memref<128xf32, #tpu.memory_space<vmem>>, vector<16xf32>,
      %scan3A_37 = arith.constant 0 : i32
      scf.yield %scan3A_37 : i32
    }
    %scan3A_6 = arith.constant 8 : i32
    %scan3A_7 = arith.constant 0 : i32
    %scan3A_8 = arith.constant 0 : i32
    %scan3A_9 = arith.constant 40 : i32
    %scan3A_10 = arith.addi %scan3A_8, %scan3A_9 : i32
    %scan3A_11 = arith.constant 1 : i32
    %scan3A_12 = scf.for %scan3A_29 = %scan3A_8 to %scan3A_10 step %scan3A_11 iter_args(%scan3A_30 = %scan3A_7) -> (i32)  : i32 {
      %broadcast_in_dim3A = arith.constant 0.000000e+00 : f32
      %broadcast_in_dim3A_31 = vector.broadcast %broadcast_in_dim3A : f32 to vector<16xf32>
      %mul3A_32 = arith.constant 16 : i32
      %mul3A_33 = arith.muli %scan3A_29, %mul3A_32 : i32
      %swap3A = arith.index_cast %mul3A_33 : i32 to index
      %swap3A_34 = tpu.vector_load %arg8[%swap3A] {strides = array<i32>} : memref<640xf32, #tpu.memory_space<vmem>>, vector<16xf32>,
      %swap3A_35 = vector.shape_cast %swap3A_34 : vector<16xf32> to vector<16xf32>
      %swap3A_36 = vector.shape_cast %broadcast_in_dim3A_31 : vector<16xf32> to vector<16xf32>
      tpu.vector_store %arg8[%swap3A], %swap3A_36 {strides = array<i32>} : memref<640xf32, #tpu.memory_space<vmem>>, vector<16xf32>,
      %scan3A_37 = arith.constant 0 : i32
      scf.yield %scan3A_37 : i32
    }
    %scan3A_13 = arith.constant 40 : i32
    %mul3A_14 = arith.constant 640 : i32
    %mul3A_15 = arith.muli %arg1, %mul3A_14 : i32
    "tpu.region"() ({
      %run_scoped3A_29 = tpu.sem_alloc : memref<!tpu.dma_semaphore, #tpu.memory_space<semaphore_mem>>
      %dma_start3A = tpu.memref_slice %arg9[%mul3A_15] : memref<10240xf32, #tpu.memory_space<vmem_shared>> -> memref<640xf32, #tpu.memory_space<vmem_shared>>
      %dma_start3A_30 = tpu.memref_slice %arg9[%mul3A_15] : memref<10240xf32, #tpu.memory_space<vmem_shared>> -> memref<640xf32, #tpu.memory_space<vmem_shared>>
      tpu.enqueue_dma source(%arg8 : memref<640xf32, #tpu.memory_space<vmem>>) target(%dma_start3A_30 : memref<640xf32, #tpu.memory_space<vmem_shared>>) target_semaphore(%run_scoped3A_29 : memref<!tpu.dma_semaphore, #tpu.memory_space<semaphore_mem>>)
      %dma_wait3A = tpu.memref_slice %arg9[%mul3A_15] : memref<10240xf32, #tpu.memory_space<vmem_shared>> -> memref<640xf32, #tpu.memory_space<vmem_shared>>
      %dma_wait3A_31 = tpu.memref_slice %arg9[%mul3A_15] : memref<10240xf32, #tpu.memory_space<vmem_shared>> -> memref<640xf32, #tpu.memory_space<vmem_shared>>
      tpu.wait_dma2 semaphore(%run_scoped3A_29 : memref<!tpu.dma_semaphore, #tpu.memory_space<semaphore_mem>>) src(%arg8 : memref<640xf32, #tpu.memory_space<vmem>>) dst(%dma_wait3A_31 : memref<640xf32, #tpu.memory_space<vmem_shared>>)
      tpu.yield
    }) : () -> ()
    %mul3A_16 = arith.constant 640 : i32
    %mul3A_17 = arith.muli %arg1, %mul3A_16 : i32
    "tpu.region"() ({
      %run_scoped3A_29 = tpu.sem_alloc : memref<!tpu.dma_semaphore, #tpu.memory_space<semaphore_mem>>
      %dma_start3A = tpu.memref_slice %arg10[%mul3A_17] : memref<10240xf32, #tpu.memory_space<vmem_shared>> -> memref<640xf32, #tpu.memory_space<vmem_shared>>
      %dma_start3A_30 = tpu.memref_slice %arg10[%mul3A_17] : memref<10240xf32, #tpu.memory_space<vmem_shared>> -> memref<640xf32, #tpu.memory_space<vmem_shared>>
      tpu.enqueue_dma source(%arg8 : memref<640xf32, #tpu.memory_space<vmem>>) target(%dma_start3A_30 : memref<640xf32, #tpu.memory_space<vmem_shared>>) target_semaphore(%run_scoped3A_29 : memref<!tpu.dma_semaphore, #tpu.memory_space<semaphore_mem>>)
      %dma_wait3A = tpu.memref_slice %arg10[%mul3A_17] : memref<10240xf32, #tpu.memory_space<vmem_shared>> -> memref<640xf32, #tpu.memory_space<vmem_shared>>
      %dma_wait3A_31 = tpu.memref_slice %arg10[%mul3A_17] : memref<10240xf32, #tpu.memory_space<vmem_shared>> -> memref<640xf32, #tpu.memory_space<vmem_shared>>
      tpu.wait_dma2 semaphore(%run_scoped3A_29 : memref<!tpu.dma_semaphore, #tpu.memory_space<semaphore_mem>>) src(%arg8 : memref<640xf32, #tpu.memory_space<vmem>>) dst(%dma_wait3A_31 : memref<640xf32, #tpu.memory_space<vmem_shared>>)
      tpu.yield
    }) : () -> ()
    %barrier3A = arith.constant 0 : index
    tpu.barrier barrier_id(%barrier3A)
    %scan3A_18 = arith.constant 0 : i32
    %scan3A_19 = arith.constant 0 : i32
    %scan3A_20 = arith.constant 80 : i32
    %scan3A_21 = arith.addi %scan3A_19, %scan3A_20 : i32
    %scan3A_22 = arith.constant 1 : i32
    %scan3A_23 = scf.for %scan3A_29 = %scan3A_19 to %scan3A_21 step %scan3A_22 iter_args(%scan3A_30 = %scan3A_18) -> (i32)  : i32 {
      "tpu.region"() ({
        %run_scoped3A_32 = tpu.sem_alloc : memref<!tpu.dma_semaphore, #tpu.memory_space<semaphore_mem>>
        %dma_start3A = arith.constant 0 : i32
        %dma_start3A_33 = tpu.memref_slice %arg5[%scan3A_29, %dma_start3A] : memref<80x128xi32, #tpu.memory_space<vmem>> -> memref<1x128xi32, #tpu.memory_space<vmem>>
        %dma_start3A_34 = tpu.memref_squeeze %dma_start3A_33 : memref<1x128xi32, #tpu.memory_space<vmem>> -> memref<128xi32, #tpu.memory_space<vmem>>
        %dma_start3A_35 = arith.constant 0 : i32
        %dma_start3A_36 = tpu.memref_slice %arg9[%dma_start3A_35] : memref<10240xf32, #tpu.memory_space<vmem_shared>> -> memref<10240xf32, #tpu.memory_space<vmem_shared>>
        tpu.enqueue_indirect_dma source(%arg7 : memref<128xf32, #tpu.memory_space<vmem>>) target(%dma_start3A_36 : memref<10240xf32, #tpu.memory_space<vmem_shared>>) offsets(%dma_start3A_34 : memref<128xi32, #tpu.memory_space<vmem>>) semaphore(%run_scoped3A_32 : memref<!tpu.dma_semaphore, #tpu.memory_space<semaphore_mem>>) {add = true}
        %dma_wait3A = arith.constant 0 : i32
        %dma_wait3A_37 = tpu.memref_slice %arg5[%scan3A_29, %dma_wait3A] : memref<80x128xi32, #tpu.memory_space<vmem>> -> memref<1x128xi32, #tpu.memory_space<vmem>>
        %dma_wait3A_38 = tpu.memref_squeeze %dma_wait3A_37 : memref<1x128xi32, #tpu.memory_space<vmem>> -> memref<128xi32, #tpu.memory_space<vmem>>
        %dma_wait3A_39 = arith.constant 0 : i32
        %dma_wait3A_40 = tpu.memref_slice %arg9[%dma_wait3A_39] : memref<10240xf32, #tpu.memory_space<vmem_shared>> -> memref<10240xf32, #tpu.memory_space<vmem_shared>>
        tpu.wait_indirect_dma semaphore(%run_scoped3A_32 : memref<!tpu.dma_semaphore, #tpu.memory_space<semaphore_mem>>) src(%arg7 : memref<128xf32, #tpu.memory_space<vmem>>) dst(%dma_wait3A_40 : memref<10240xf32, #tpu.memory_space<vmem_shared>>)
        tpu.yield
      }) : () -> ()
      "tpu.region"() ({
        %run_scoped3A_32 = tpu.sem_alloc : memref<!tpu.dma_semaphore, #tpu.memory_space<semaphore_mem>>
        %dma_start3A = arith.constant 0 : i32
        %dma_start3A_33 = tpu.memref_slice %arg6[%scan3A_29, %dma_start3A] : memref<80x128xi32, #tpu.memory_space<vmem>> -> memref<1x128xi32, #tpu.memory_space<vmem>>
        %dma_start3A_34 = tpu.memref_squeeze %dma_start3A_33 : memref<1x128xi32, #tpu.memory_space<vmem>> -> memref<128xi32, #tpu.memory_space<vmem>>
        %dma_start3A_35 = arith.constant 0 : i32
        %dma_start3A_36 = tpu.memref_slice %arg10[%dma_start3A_35] : memref<10240xf32, #tpu.memory_space<vmem_shared>> -> memref<10240xf32, #tpu.memory_space<vmem_shared>>
        tpu.enqueue_indirect_dma source(%arg7 : memref<128xf32, #tpu.memory_space<vmem>>) target(%dma_start3A_36 : memref<10240xf32, #tpu.memory_space<vmem_shared>>) offsets(%dma_start3A_34 : memref<128xi32, #tpu.memory_space<vmem>>) semaphore(%run_scoped3A_32 : memref<!tpu.dma_semaphore, #tpu.memory_space<semaphore_mem>>) {add = true}
        %dma_wait3A = arith.constant 0 : i32
        %dma_wait3A_37 = tpu.memref_slice %arg6[%scan3A_29, %dma_wait3A] : memref<80x128xi32, #tpu.memory_space<vmem>> -> memref<1x128xi32, #tpu.memory_space<vmem>>
        %dma_wait3A_38 = tpu.memref_squeeze %dma_wait3A_37 : memref<1x128xi32, #tpu.memory_space<vmem>> -> memref<128xi32, #tpu.memory_space<vmem>>
        %dma_wait3A_39 = arith.constant 0 : i32
        %dma_wait3A_40 = tpu.memref_slice %arg10[%dma_wait3A_39] : memref<10240xf32, #tpu.memory_space<vmem_shared>> -> memref<10240xf32, #tpu.memory_space<vmem_shared>>
        tpu.wait_indirect_dma semaphore(%run_scoped3A_32 : memref<!tpu.dma_semaphore, #tpu.memory_space<semaphore_mem>>) src(%arg7 : memref<128xf32, #tpu.memory_space<vmem>>) dst(%dma_wait3A_40 : memref<10240xf32, #tpu.memory_space<vmem_shared>>)
        tpu.yield
      }) : () -> ()
      %scan3A_31 = arith.constant 0 : i32
      scf.yield %scan3A_31 : i32
    }
    %scan3A_24 = arith.constant 80 : i32
    %barrier3A_25 = arith.constant 0 : index
    tpu.barrier barrier_id(%barrier3A_25)
    %mul3A_26 = arith.constant 640 : i32
    %mul3A_27 = arith.muli %arg1, %mul3A_26 : i32
    %run_scoped3A = arith.constant 0 : i32
    "tpu.region"() ({
      %run_scoped3A_29 = tpu.sem_alloc : memref<!tpu.dma_semaphore, #tpu.memory_space<semaphore_mem>>
      %dma_start3A = tpu.memref_slice %arg4[%arg0, %run_scoped3A, %mul3A_27] : memref<2x2x10240xf32, #tpu.memory_space<hbm>> -> memref<1x1x640xf32, #tpu.memory_space<hbm>>
      %dma_start3A_30 = tpu.memref_squeeze %dma_start3A : memref<1x1x640xf32, #tpu.memory_space<hbm>> -> memref<640xf32, #tpu.memory_space<hbm>>
      %dma_start3A_31 = tpu.memref_slice %arg9[%mul3A_27] : memref<10240xf32, #tpu.memory_space<vmem_shared>> -> memref<640xf32, #tpu.memory_space<vmem_shared>>
      tpu.enqueue_dma source(%dma_start3A_31 : memref<640xf32, #tpu.memory_space<vmem_shared>>) target(%dma_start3A_30 : memref<640xf32, #tpu.memory_space<hbm>>) target_semaphore(%run_scoped3A_29 : memref<!tpu.dma_semaphore, #tpu.memory_space<semaphore_mem>>)
      %dma_wait3A = tpu.memref_slice %arg4[%arg0, %run_scoped3A, %mul3A_27] : memref<2x2x10240xf32, #tpu.memory_space<hbm>> -> memref<1x1x640xf32, #tpu.memory_space<hbm>>
      %dma_wait3A_32 = tpu.memref_squeeze %dma_wait3A : memref<1x1x640xf32, #tpu.memory_space<hbm>> -> memref<640xf32, #tpu.memory_space<hbm>>
      %dma_wait3A_33 = tpu.memref_slice %arg9[%mul3A_27] : memref<10240xf32, #tpu.memory_space<vmem_shared>> -> memref<640xf32, #tpu.memory_space<vmem_shared>>
      tpu.wait_dma2 semaphore(%run_scoped3A_29 : memref<!tpu.dma_semaphore, #tpu.memory_space<semaphore_mem>>) src(%dma_wait3A_33 : memref<640xf32, #tpu.memory_space<vmem_shared>>) dst(%dma_wait3A_32 : memref<640xf32, #tpu.memory_space<hbm>>)
      tpu.yield
    }) : () -> ()
    %run_scoped3A_28 = arith.constant 1 : i32
    "tpu.region"() ({
      %run_scoped3A_29 = tpu.sem_alloc : memref<!tpu.dma_semaphore, #tpu.memory_space<semaphore_mem>>
      %dma_start3A = tpu.memref_slice %arg4[%arg0, %run_scoped3A_28, %mul3A_27] : memref<2x2x10240xf32, #tpu.memory_space<hbm>> -> memref<1x1x640xf32, #tpu.memory_space<hbm>>
      %dma_start3A_30 = tpu.memref_squeeze %dma_start3A : memref<1x1x640xf32, #tpu.memory_space<hbm>> -> memref<640xf32, #tpu.memory_space<hbm>>
      %dma_start3A_31 = tpu.memref_slice %arg10[%mul3A_27] : memref<10240xf32, #tpu.memory_space<vmem_shared>> -> memref<640xf32, #tpu.memory_space<vmem_shared>>
      tpu.enqueue_dma source(%dma_start3A_31 : memref<640xf32, #tpu.memory_space<vmem_shared>>) target(%dma_start3A_30 : memref<640xf32, #tpu.memory_space<hbm>>) target_semaphore(%run_scoped3A_29 : memref<!tpu.dma_semaphore, #tpu.memory_space<semaphore_mem>>)
      %dma_wait3A = tpu.memref_slice %arg4[%arg0, %run_scoped3A_28, %mul3A_27] : memref<2x2x10240xf32, #tpu.memory_space<hbm>> -> memref<1x1x640xf32, #tpu.memory_space<hbm>>
      %dma_wait3A_32 = tpu.memref_squeeze %dma_wait3A : memref<1x1x640xf32, #tpu.memory_space<hbm>> -> memref<640xf32, #tpu.memory_space<hbm>>
      %dma_wait3A_33 = tpu.memref_slice %arg10[%mul3A_27] : memref<10240xf32, #tpu.memory_space<vmem_shared>> -> memref<640xf32, #tpu.memory_space<vmem_shared>>
      tpu.wait_dma2 semaphore(%run_scoped3A_29 : memref<!tpu.dma_semaphore, #tpu.memory_space<semaphore_mem>>) src(%dma_wait3A_33 : memref<640xf32, #tpu.memory_space<vmem_shared>>) dst(%dma_wait3A_32 : memref<640xf32, #tpu.memory_space<hbm>>)
      tpu.yield
    }) : () -> ()
    return
  }
}

#map = affine_map<(d0, d1) -> (0, 0)>
#map1 = affine_map<(d0, d1) -> (0, 0, 0)>
module attributes {stable_mosaic.version = 14 : i64} {
  func.func @agg_kernel(%arg0: i32, %arg1: i32, %arg2: memref<10000x128xf32, #tpu.memory_space<hbm>>, %arg3: memref<16x160x128xi32, #tpu.memory_space<hbm>>, %arg4: memref<16x160x128xi32, #tpu.memory_space<hbm>>, %arg5: memref<2x10240x128xf32, #tpu.memory_space<hbm>>, %arg6: memref<104x128xi32, #tpu.memory_space<vmem>>, %arg7: memref<104x128xi32, #tpu.memory_space<vmem>>, %arg8: memref<128x128xf32, #tpu.memory_space<vmem>>, %arg9: memref<10240x128xf32, #tpu.memory_space<vmem_shared>>, %arg10: memref<!tpu.dma_semaphore, #tpu.memory_space<semaphore_mem>>) attributes {dimension_semantics = [#tpu.dimension_semantics<core_parallel>, #tpu.dimension_semantics<subcore_parallel>], iteration_bounds = array<i64: 2, 16>, scalar_prefetch = 0 : i64, scratch_operands = 5 : i64, tpu.core_type = #tpu.core_type<sc_vector_subcore>, window_params = [{transform_indices = #map}, {transform_indices = #map1}, {transform_indices = #map1}, {transform_indices = #map1}]} {
    %eq3A = arith.constant 0 : i32
    %eq3A_0 = arith.cmpi eq, %arg0, %eq3A : i32
    %jit3A = arith.constant 0 : i32
    %jit3A_1 = arith.constant 56 : i32
    %select_n3A = arith.select %eq3A_0, %jit3A, %jit3A_1 : i32
    %multiple_of3A = tpu.assume_multiple %select_n3A, 8 : i32
    "tpu.region"() ({
      %run_scoped3A = tpu.sem_alloc : memref<!tpu.dma_semaphore, #tpu.memory_space<semaphore_mem>>
      %dma_start3A = arith.constant 0 : i32
      %dma_start3A_49 = tpu.memref_slice %arg3[%arg1, %multiple_of3A, %dma_start3A] : memref<16x160x128xi32, #tpu.memory_space<hbm>> -> memref<1x104x128xi32, #tpu.memory_space<hbm>>
      %dma_start3A_50 = tpu.memref_squeeze %dma_start3A_49 : memref<1x104x128xi32, #tpu.memory_space<hbm>> -> memref<104x128xi32, #tpu.memory_space<hbm>>
      %dma_start3A_51 = arith.constant 0 : i32
      %dma_start3A_52 = tpu.memref_slice %arg3[%arg1, %multiple_of3A, %dma_start3A_51] : memref<16x160x128xi32, #tpu.memory_space<hbm>> -> memref<1x104x128xi32, #tpu.memory_space<hbm>>
      %dma_start3A_53 = tpu.memref_squeeze %dma_start3A_52 : memref<1x104x128xi32, #tpu.memory_space<hbm>> -> memref<104x128xi32, #tpu.memory_space<hbm>>
      tpu.enqueue_dma source(%dma_start3A_53 : memref<104x128xi32, #tpu.memory_space<hbm>>) target(%arg6 : memref<104x128xi32, #tpu.memory_space<vmem>>) target_semaphore(%run_scoped3A : memref<!tpu.dma_semaphore, #tpu.memory_space<semaphore_mem>>)
      %dma_wait3A = arith.constant 0 : i32
      %dma_wait3A_54 = tpu.memref_slice %arg3[%arg1, %multiple_of3A, %dma_wait3A] : memref<16x160x128xi32, #tpu.memory_space<hbm>> -> memref<1x104x128xi32, #tpu.memory_space<hbm>>
      %dma_wait3A_55 = tpu.memref_squeeze %dma_wait3A_54 : memref<1x104x128xi32, #tpu.memory_space<hbm>> -> memref<104x128xi32, #tpu.memory_space<hbm>>
      %dma_wait3A_56 = arith.constant 0 : i32
      %dma_wait3A_57 = tpu.memref_slice %arg3[%arg1, %multiple_of3A, %dma_wait3A_56] : memref<16x160x128xi32, #tpu.memory_space<hbm>> -> memref<1x104x128xi32, #tpu.memory_space<hbm>>
      %dma_wait3A_58 = tpu.memref_squeeze %dma_wait3A_57 : memref<1x104x128xi32, #tpu.memory_space<hbm>> -> memref<104x128xi32, #tpu.memory_space<hbm>>
      tpu.wait_dma2 semaphore(%run_scoped3A : memref<!tpu.dma_semaphore, #tpu.memory_space<semaphore_mem>>) src(%dma_wait3A_58 : memref<104x128xi32, #tpu.memory_space<hbm>>) dst(%arg6 : memref<104x128xi32, #tpu.memory_space<vmem>>)
      tpu.yield
    }) : () -> ()
    "tpu.region"() ({
      %run_scoped3A = tpu.sem_alloc : memref<!tpu.dma_semaphore, #tpu.memory_space<semaphore_mem>>
      %dma_start3A = arith.constant 0 : i32
      %dma_start3A_49 = tpu.memref_slice %arg4[%arg1, %multiple_of3A, %dma_start3A] : memref<16x160x128xi32, #tpu.memory_space<hbm>> -> memref<1x104x128xi32, #tpu.memory_space<hbm>>
      %dma_start3A_50 = tpu.memref_squeeze %dma_start3A_49 : memref<1x104x128xi32, #tpu.memory_space<hbm>> -> memref<104x128xi32, #tpu.memory_space<hbm>>
      %dma_start3A_51 = arith.constant 0 : i32
      %dma_start3A_52 = tpu.memref_slice %arg4[%arg1, %multiple_of3A, %dma_start3A_51] : memref<16x160x128xi32, #tpu.memory_space<hbm>> -> memref<1x104x128xi32, #tpu.memory_space<hbm>>
      %dma_start3A_53 = tpu.memref_squeeze %dma_start3A_52 : memref<1x104x128xi32, #tpu.memory_space<hbm>> -> memref<104x128xi32, #tpu.memory_space<hbm>>
      tpu.enqueue_dma source(%dma_start3A_53 : memref<104x128xi32, #tpu.memory_space<hbm>>) target(%arg7 : memref<104x128xi32, #tpu.memory_space<vmem>>) target_semaphore(%run_scoped3A : memref<!tpu.dma_semaphore, #tpu.memory_space<semaphore_mem>>)
      %dma_wait3A = arith.constant 0 : i32
      %dma_wait3A_54 = tpu.memref_slice %arg4[%arg1, %multiple_of3A, %dma_wait3A] : memref<16x160x128xi32, #tpu.memory_space<hbm>> -> memref<1x104x128xi32, #tpu.memory_space<hbm>>
      %dma_wait3A_55 = tpu.memref_squeeze %dma_wait3A_54 : memref<1x104x128xi32, #tpu.memory_space<hbm>> -> memref<104x128xi32, #tpu.memory_space<hbm>>
      %dma_wait3A_56 = arith.constant 0 : i32
      %dma_wait3A_57 = tpu.memref_slice %arg4[%arg1, %multiple_of3A, %dma_wait3A_56] : memref<16x160x128xi32, #tpu.memory_space<hbm>> -> memref<1x104x128xi32, #tpu.memory_space<hbm>>
      %dma_wait3A_58 = tpu.memref_squeeze %dma_wait3A_57 : memref<1x104x128xi32, #tpu.memory_space<hbm>> -> memref<104x128xi32, #tpu.memory_space<hbm>>
      tpu.wait_dma2 semaphore(%run_scoped3A : memref<!tpu.dma_semaphore, #tpu.memory_space<semaphore_mem>>) src(%dma_wait3A_58 : memref<104x128xi32, #tpu.memory_space<hbm>>) dst(%arg7 : memref<104x128xi32, #tpu.memory_space<vmem>>)
      tpu.yield
    }) : () -> ()
    %scan3A = arith.constant 0 : i32
    %scan3A_2 = arith.constant 0 : i32
    %scan3A_3 = arith.constant 128 : i32
    %scan3A_4 = arith.addi %scan3A_2, %scan3A_3 : i32
    %scan3A_5 = arith.constant 1 : i32
    %scan3A_6 = scf.for %scan3A_49 = %scan3A_2 to %scan3A_4 step %scan3A_5 iter_args(%scan3A_50 = %scan3A) -> (i32)  : i32 {
      %broadcast_in_dim3A = arith.constant 0.000000e+00 : f32
      %broadcast_in_dim3A_51 = vector.broadcast %broadcast_in_dim3A : f32 to vector<16xf32>
      %swap3A = arith.index_cast %scan3A_49 : i32 to index
      %swap3A_52 = arith.constant 0 : index
      %swap3A_53 = tpu.vector_load %arg8[%swap3A, %swap3A_52] {strides = array<i32>} : memref<128x128xf32, #tpu.memory_space<vmem>>, vector<1x16xf32>,
      %swap3A_54 = vector.shape_cast %swap3A_53 : vector<1x16xf32> to vector<16xf32>
      %swap3A_55 = vector.shape_cast %broadcast_in_dim3A_51 : vector<16xf32> to vector<1x16xf32>
      tpu.vector_store %arg8[%swap3A, %swap3A_52], %swap3A_55 {strides = array<i32>} : memref<128x128xf32, #tpu.memory_space<vmem>>, vector<1x16xf32>,
      %broadcast_in_dim3A_56 = arith.constant 0.000000e+00 : f32
      %broadcast_in_dim3A_57 = vector.broadcast %broadcast_in_dim3A_56 : f32 to vector<16xf32>
      %swap3A_58 = arith.index_cast %scan3A_49 : i32 to index
      %swap3A_59 = arith.constant 16 : index
      %swap3A_60 = tpu.vector_load %arg8[%swap3A_58, %swap3A_59] {strides = array<i32>} : memref<128x128xf32, #tpu.memory_space<vmem>>, vector<1x16xf32>,
      %swap3A_61 = vector.shape_cast %swap3A_60 : vector<1x16xf32> to vector<16xf32>
      %swap3A_62 = vector.shape_cast %broadcast_in_dim3A_57 : vector<16xf32> to vector<1x16xf32>
      tpu.vector_store %arg8[%swap3A_58, %swap3A_59], %swap3A_62 {strides = array<i32>} : memref<128x128xf32, #tpu.memory_space<vmem>>, vector<1x16xf32>,
      %broadcast_in_dim3A_63 = arith.constant 0.000000e+00 : f32
      %broadcast_in_dim3A_64 = vector.broadcast %broadcast_in_dim3A_63 : f32 to vector<16xf32>
      %swap3A_65 = arith.index_cast %scan3A_49 : i32 to index
      %swap3A_66 = arith.constant 32 : index
      %swap3A_67 = tpu.vector_load %arg8[%swap3A_65, %swap3A_66] {strides = array<i32>} : memref<128x128xf32, #tpu.memory_space<vmem>>, vector<1x16xf32>,
      %swap3A_68 = vector.shape_cast %swap3A_67 : vector<1x16xf32> to vector<16xf32>
      %swap3A_69 = vector.shape_cast %broadcast_in_dim3A_64 : vector<16xf32> to vector<1x16xf32>
      tpu.vector_store %arg8[%swap3A_65, %swap3A_66], %swap3A_69 {strides = array<i32>} : memref<128x128xf32, #tpu.memory_space<vmem>>, vector<1x16xf32>,
      %broadcast_in_dim3A_70 = arith.constant 0.000000e+00 : f32
      %broadcast_in_dim3A_71 = vector.broadcast %broadcast_in_dim3A_70 : f32 to vector<16xf32>
      %swap3A_72 = arith.index_cast %scan3A_49 : i32 to index
      %swap3A_73 = arith.constant 48 : index
      %swap3A_74 = tpu.vector_load %arg8[%swap3A_72, %swap3A_73] {strides = array<i32>} : memref<128x128xf32, #tpu.memory_space<vmem>>, vector<1x16xf32>,
      %swap3A_75 = vector.shape_cast %swap3A_74 : vector<1x16xf32> to vector<16xf32>
      %swap3A_76 = vector.shape_cast %broadcast_in_dim3A_71 : vector<16xf32> to vector<1x16xf32>
      tpu.vector_store %arg8[%swap3A_72, %swap3A_73], %swap3A_76 {strides = array<i32>} : memref<128x128xf32, #tpu.memory_space<vmem>>, vector<1x16xf32>,
      %broadcast_in_dim3A_77 = arith.constant 0.000000e+00 : f32
      %broadcast_in_dim3A_78 = vector.broadcast %broadcast_in_dim3A_77 : f32 to vector<16xf32>
      %swap3A_79 = arith.index_cast %scan3A_49 : i32 to index
      %swap3A_80 = arith.constant 64 : index
      %swap3A_81 = tpu.vector_load %arg8[%swap3A_79, %swap3A_80] {strides = array<i32>} : memref<128x128xf32, #tpu.memory_space<vmem>>, vector<1x16xf32>,
      %swap3A_82 = vector.shape_cast %swap3A_81 : vector<1x16xf32> to vector<16xf32>
      %swap3A_83 = vector.shape_cast %broadcast_in_dim3A_78 : vector<16xf32> to vector<1x16xf32>
      tpu.vector_store %arg8[%swap3A_79, %swap3A_80], %swap3A_83 {strides = array<i32>} : memref<128x128xf32, #tpu.memory_space<vmem>>, vector<1x16xf32>,
      %broadcast_in_dim3A_84 = arith.constant 0.000000e+00 : f32
      %broadcast_in_dim3A_85 = vector.broadcast %broadcast_in_dim3A_84 : f32 to vector<16xf32>
      %swap3A_86 = arith.index_cast %scan3A_49 : i32 to index
      %swap3A_87 = arith.constant 80 : index
      %swap3A_88 = tpu.vector_load %arg8[%swap3A_86, %swap3A_87] {strides = array<i32>} : memref<128x128xf32, #tpu.memory_space<vmem>>, vector<1x16xf32>,
      %swap3A_89 = vector.shape_cast %swap3A_88 : vector<1x16xf32> to vector<16xf32>
      %swap3A_90 = vector.shape_cast %broadcast_in_dim3A_85 : vector<16xf32> to vector<1x16xf32>
      tpu.vector_store %arg8[%swap3A_86, %swap3A_87], %swap3A_90 {strides = array<i32>} : memref<128x128xf32, #tpu.memory_space<vmem>>, vector<1x16xf32>,
      %broadcast_in_dim3A_91 = arith.constant 0.000000e+00 : f32
      %broadcast_in_dim3A_92 = vector.broadcast %broadcast_in_dim3A_91 : f32 to vector<16xf32>
      %swap3A_93 = arith.index_cast %scan3A_49 : i32 to index
      %swap3A_94 = arith.constant 96 : index
      %swap3A_95 = tpu.vector_load %arg8[%swap3A_93, %swap3A_94] {strides = array<i32>} : memref<128x128xf32, #tpu.memory_space<vmem>>, vector<1x16xf32>,
      %swap3A_96 = vector.shape_cast %swap3A_95 : vector<1x16xf32> to vector<16xf32>
      %swap3A_97 = vector.shape_cast %broadcast_in_dim3A_92 : vector<16xf32> to vector<1x16xf32>
      tpu.vector_store %arg8[%swap3A_93, %swap3A_94], %swap3A_97 {strides = array<i32>} : memref<128x128xf32, #tpu.memory_space<vmem>>, vector<1x16xf32>,
      %broadcast_in_dim3A_98 = arith.constant 0.000000e+00 : f32
      %broadcast_in_dim3A_99 = vector.broadcast %broadcast_in_dim3A_98 : f32 to vector<16xf32>
      %swap3A_100 = arith.index_cast %scan3A_49 : i32 to index
      %swap3A_101 = arith.constant 112 : index
      %swap3A_102 = tpu.vector_load %arg8[%swap3A_100, %swap3A_101] {strides = array<i32>} : memref<128x128xf32, #tpu.memory_space<vmem>>, vector<1x16xf32>,
      %swap3A_103 = vector.shape_cast %swap3A_102 : vector<1x16xf32> to vector<16xf32>
      %swap3A_104 = vector.shape_cast %broadcast_in_dim3A_99 : vector<16xf32> to vector<1x16xf32>
      tpu.vector_store %arg8[%swap3A_100, %swap3A_101], %swap3A_104 {strides = array<i32>} : memref<128x128xf32, #tpu.memory_space<vmem>>, vector<1x16xf32>,
      %scan3A_105 = arith.constant 0 : i32
      scf.yield %scan3A_105 : i32
    }
    %scan3A_7 = arith.constant 128 : i32
    %mul3A = arith.constant 640 : i32
    %mul3A_8 = arith.muli %arg1, %mul3A : i32
    %add3A = arith.constant 0 : i32
    %add3A_9 = arith.addi %mul3A_8, %add3A : i32
    "tpu.region"() ({
      %run_scoped3A = tpu.sem_alloc : memref<!tpu.dma_semaphore, #tpu.memory_space<semaphore_mem>>
      %dma_start3A = arith.constant 0 : i32
      %dma_start3A_49 = tpu.memref_slice %arg9[%add3A_9, %dma_start3A] : memref<10240x128xf32, #tpu.memory_space<vmem_shared>> -> memref<128x128xf32, #tpu.memory_space<vmem_shared>>
      %dma_start3A_50 = arith.constant 0 : i32
      %dma_start3A_51 = tpu.memref_slice %arg9[%add3A_9, %dma_start3A_50] : memref<10240x128xf32, #tpu.memory_space<vmem_shared>> -> memref<128x128xf32, #tpu.memory_space<vmem_shared>>
      tpu.enqueue_dma source(%arg8 : memref<128x128xf32, #tpu.memory_space<vmem>>) target(%dma_start3A_51 : memref<128x128xf32, #tpu.memory_space<vmem_shared>>) target_semaphore(%run_scoped3A : memref<!tpu.dma_semaphore, #tpu.memory_space<semaphore_mem>>)
      %dma_wait3A = arith.constant 0 : i32
      %dma_wait3A_52 = tpu.memref_slice %arg9[%add3A_9, %dma_wait3A] : memref<10240x128xf32, #tpu.memory_space<vmem_shared>> -> memref<128x128xf32, #tpu.memory_space<vmem_shared>>
      %dma_wait3A_53 = arith.constant 0 : i32
      %dma_wait3A_54 = tpu.memref_slice %arg9[%add3A_9, %dma_wait3A_53] : memref<10240x128xf32, #tpu.memory_space<vmem_shared>> -> memref<128x128xf32, #tpu.memory_space<vmem_shared>>
      tpu.wait_dma2 semaphore(%run_scoped3A : memref<!tpu.dma_semaphore, #tpu.memory_space<semaphore_mem>>) src(%arg8 : memref<128x128xf32, #tpu.memory_space<vmem>>) dst(%dma_wait3A_54 : memref<128x128xf32, #tpu.memory_space<vmem_shared>>)
      tpu.yield
    }) : () -> ()
    %mul3A_10 = arith.constant 640 : i32
    %mul3A_11 = arith.muli %arg1, %mul3A_10 : i32
    %add3A_12 = arith.constant 128 : i32
    %add3A_13 = arith.addi %mul3A_11, %add3A_12 : i32
    "tpu.region"() ({
      %run_scoped3A = tpu.sem_alloc : memref<!tpu.dma_semaphore, #tpu.memory_space<semaphore_mem>>
      %dma_start3A = arith.constant 0 : i32
      %dma_start3A_49 = tpu.memref_slice %arg9[%add3A_13, %dma_start3A] : memref<10240x128xf32, #tpu.memory_space<vmem_shared>> -> memref<128x128xf32, #tpu.memory_space<vmem_shared>>
      %dma_start3A_50 = arith.constant 0 : i32
      %dma_start3A_51 = tpu.memref_slice %arg9[%add3A_13, %dma_start3A_50] : memref<10240x128xf32, #tpu.memory_space<vmem_shared>> -> memref<128x128xf32, #tpu.memory_space<vmem_shared>>
      tpu.enqueue_dma source(%arg8 : memref<128x128xf32, #tpu.memory_space<vmem>>) target(%dma_start3A_51 : memref<128x128xf32, #tpu.memory_space<vmem_shared>>) target_semaphore(%run_scoped3A : memref<!tpu.dma_semaphore, #tpu.memory_space<semaphore_mem>>)
      %dma_wait3A = arith.constant 0 : i32
      %dma_wait3A_52 = tpu.memref_slice %arg9[%add3A_13, %dma_wait3A] : memref<10240x128xf32, #tpu.memory_space<vmem_shared>> -> memref<128x128xf32, #tpu.memory_space<vmem_shared>>
      %dma_wait3A_53 = arith.constant 0 : i32
      %dma_wait3A_54 = tpu.memref_slice %arg9[%add3A_13, %dma_wait3A_53] : memref<10240x128xf32, #tpu.memory_space<vmem_shared>> -> memref<128x128xf32, #tpu.memory_space<vmem_shared>>
      tpu.wait_dma2 semaphore(%run_scoped3A : memref<!tpu.dma_semaphore, #tpu.memory_space<semaphore_mem>>) src(%arg8 : memref<128x128xf32, #tpu.memory_space<vmem>>) dst(%dma_wait3A_54 : memref<128x128xf32, #tpu.memory_space<vmem_shared>>)
      tpu.yield
    }) : () -> ()
    %mul3A_14 = arith.constant 640 : i32
    %mul3A_15 = arith.muli %arg1, %mul3A_14 : i32
    %add3A_16 = arith.constant 256 : i32
    %add3A_17 = arith.addi %mul3A_15, %add3A_16 : i32
    "tpu.region"() ({
      %run_scoped3A = tpu.sem_alloc : memref<!tpu.dma_semaphore, #tpu.memory_space<semaphore_mem>>
      %dma_start3A = arith.constant 0 : i32
      %dma_start3A_49 = tpu.memref_slice %arg9[%add3A_17, %dma_start3A] : memref<10240x128xf32, #tpu.memory_space<vmem_shared>> -> memref<128x128xf32, #tpu.memory_space<vmem_shared>>
      %dma_start3A_50 = arith.constant 0 : i32
      %dma_start3A_51 = tpu.memref_slice %arg9[%add3A_17, %dma_start3A_50] : memref<10240x128xf32, #tpu.memory_space<vmem_shared>> -> memref<128x128xf32, #tpu.memory_space<vmem_shared>>
      tpu.enqueue_dma source(%arg8 : memref<128x128xf32, #tpu.memory_space<vmem>>) target(%dma_start3A_51 : memref<128x128xf32, #tpu.memory_space<vmem_shared>>) target_semaphore(%run_scoped3A : memref<!tpu.dma_semaphore, #tpu.memory_space<semaphore_mem>>)
      %dma_wait3A = arith.constant 0 : i32
      %dma_wait3A_52 = tpu.memref_slice %arg9[%add3A_17, %dma_wait3A] : memref<10240x128xf32, #tpu.memory_space<vmem_shared>> -> memref<128x128xf32, #tpu.memory_space<vmem_shared>>
      %dma_wait3A_53 = arith.constant 0 : i32
      %dma_wait3A_54 = tpu.memref_slice %arg9[%add3A_17, %dma_wait3A_53] : memref<10240x128xf32, #tpu.memory_space<vmem_shared>> -> memref<128x128xf32, #tpu.memory_space<vmem_shared>>
      tpu.wait_dma2 semaphore(%run_scoped3A : memref<!tpu.dma_semaphore, #tpu.memory_space<semaphore_mem>>) src(%arg8 : memref<128x128xf32, #tpu.memory_space<vmem>>) dst(%dma_wait3A_54 : memref<128x128xf32, #tpu.memory_space<vmem_shared>>)
      tpu.yield
    }) : () -> ()
    %mul3A_18 = arith.constant 640 : i32
    %mul3A_19 = arith.muli %arg1, %mul3A_18 : i32
    %add3A_20 = arith.constant 384 : i32
    %add3A_21 = arith.addi %mul3A_19, %add3A_20 : i32
    "tpu.region"() ({
      %run_scoped3A = tpu.sem_alloc : memref<!tpu.dma_semaphore, #tpu.memory_space<semaphore_mem>>
      %dma_start3A = arith.constant 0 : i32
      %dma_start3A_49 = tpu.memref_slice %arg9[%add3A_21, %dma_start3A] : memref<10240x128xf32, #tpu.memory_space<vmem_shared>> -> memref<128x128xf32, #tpu.memory_space<vmem_shared>>
      %dma_start3A_50 = arith.constant 0 : i32
      %dma_start3A_51 = tpu.memref_slice %arg9[%add3A_21, %dma_start3A_50] : memref<10240x128xf32, #tpu.memory_space<vmem_shared>> -> memref<128x128xf32, #tpu.memory_space<vmem_shared>>
      tpu.enqueue_dma source(%arg8 : memref<128x128xf32, #tpu.memory_space<vmem>>) target(%dma_start3A_51 : memref<128x128xf32, #tpu.memory_space<vmem_shared>>) target_semaphore(%run_scoped3A : memref<!tpu.dma_semaphore, #tpu.memory_space<semaphore_mem>>)
      %dma_wait3A = arith.constant 0 : i32
      %dma_wait3A_52 = tpu.memref_slice %arg9[%add3A_21, %dma_wait3A] : memref<10240x128xf32, #tpu.memory_space<vmem_shared>> -> memref<128x128xf32, #tpu.memory_space<vmem_shared>>
      %dma_wait3A_53 = arith.constant 0 : i32
      %dma_wait3A_54 = tpu.memref_slice %arg9[%add3A_21, %dma_wait3A_53] : memref<10240x128xf32, #tpu.memory_space<vmem_shared>> -> memref<128x128xf32, #tpu.memory_space<vmem_shared>>
      tpu.wait_dma2 semaphore(%run_scoped3A : memref<!tpu.dma_semaphore, #tpu.memory_space<semaphore_mem>>) src(%arg8 : memref<128x128xf32, #tpu.memory_space<vmem>>) dst(%dma_wait3A_54 : memref<128x128xf32, #tpu.memory_space<vmem_shared>>)
      tpu.yield
    }) : () -> ()
    %mul3A_22 = arith.constant 640 : i32
    %mul3A_23 = arith.muli %arg1, %mul3A_22 : i32
    %add3A_24 = arith.constant 512 : i32
    %add3A_25 = arith.addi %mul3A_23, %add3A_24 : i32
    "tpu.region"() ({
      %run_scoped3A = tpu.sem_alloc : memref<!tpu.dma_semaphore, #tpu.memory_space<semaphore_mem>>
      %dma_start3A = arith.constant 0 : i32
      %dma_start3A_49 = tpu.memref_slice %arg9[%add3A_25, %dma_start3A] : memref<10240x128xf32, #tpu.memory_space<vmem_shared>> -> memref<128x128xf32, #tpu.memory_space<vmem_shared>>
      %dma_start3A_50 = arith.constant 0 : i32
      %dma_start3A_51 = tpu.memref_slice %arg9[%add3A_25, %dma_start3A_50] : memref<10240x128xf32, #tpu.memory_space<vmem_shared>> -> memref<128x128xf32, #tpu.memory_space<vmem_shared>>
      tpu.enqueue_dma source(%arg8 : memref<128x128xf32, #tpu.memory_space<vmem>>) target(%dma_start3A_51 : memref<128x128xf32, #tpu.memory_space<vmem_shared>>) target_semaphore(%run_scoped3A : memref<!tpu.dma_semaphore, #tpu.memory_space<semaphore_mem>>)
      %dma_wait3A = arith.constant 0 : i32
      %dma_wait3A_52 = tpu.memref_slice %arg9[%add3A_25, %dma_wait3A] : memref<10240x128xf32, #tpu.memory_space<vmem_shared>> -> memref<128x128xf32, #tpu.memory_space<vmem_shared>>
      %dma_wait3A_53 = arith.constant 0 : i32
      %dma_wait3A_54 = tpu.memref_slice %arg9[%add3A_25, %dma_wait3A_53] : memref<10240x128xf32, #tpu.memory_space<vmem_shared>> -> memref<128x128xf32, #tpu.memory_space<vmem_shared>>
      tpu.wait_dma2 semaphore(%run_scoped3A : memref<!tpu.dma_semaphore, #tpu.memory_space<semaphore_mem>>) src(%arg8 : memref<128x128xf32, #tpu.memory_space<vmem>>) dst(%dma_wait3A_54 : memref<128x128xf32, #tpu.memory_space<vmem_shared>>)
      tpu.yield
    }) : () -> ()
    %barrier3A = arith.constant 0 : index
    tpu.barrier barrier_id(%barrier3A)
    %eq3A_26 = arith.constant 0 : i32
    %eq3A_27 = arith.cmpi eq, %arg0, %eq3A_26 : i32
    %jit3A_28 = arith.constant 0 : i32
    %jit3A_29 = arith.constant 48 : i32
    %select_n3A_30 = arith.select %eq3A_27, %jit3A_28, %jit3A_29 : i32
    %eq3A_31 = arith.constant 0 : i32
    %eq3A_32 = arith.cmpi eq, %arg0, %eq3A_31 : i32
    %jit3A_33 = arith.constant 104 : i32
    %jit3A_34 = arith.constant 104 : i32
    %select_n3A_35 = arith.select %eq3A_32, %jit3A_33, %jit3A_34 : i32
    %while3A = arith.constant 0 : i32
    %while3A_36 = arith.subi %select_n3A_35, %select_n3A_30 : i32
    %while3A_37 = arith.addi %select_n3A_30, %while3A_36 : i32
    %while3A_38 = arith.constant 1 : i32
    %while3A_39 = arith.divsi %while3A_36, %while3A_38 : i32
    %while3A_40 = arith.muli %while3A_39, %while3A_38 : i32
    %while3A_41 = arith.addi %select_n3A_30, %while3A_40 : i32
    %while3A_42 = arith.constant 1 : i32
    %while3A_43 = scf.for %while3A_49 = %select_n3A_30 to %while3A_41 step %while3A_42 iter_args(%while3A_50 = %while3A) -> (i32)  : i32 {
      %dma_start3A = arith.constant 0 : i32
      %dma_start3A_51 = tpu.memref_slice %arg6[%while3A_49, %dma_start3A] : memref<104x128xi32, #tpu.memory_space<vmem>> -> memref<1x128xi32, #tpu.memory_space<vmem>>
      %dma_start3A_52 = tpu.memref_squeeze %dma_start3A_51 : memref<1x128xi32, #tpu.memory_space<vmem>> -> memref<128xi32, #tpu.memory_space<vmem>>
      %dma_start3A_53 = arith.constant 0 : i32
      %dma_start3A_54 = arith.constant 0 : i32
      %dma_start3A_55 = tpu.memref_slice %arg2[%dma_start3A_53, %dma_start3A_54] : memref<10000x128xf32, #tpu.memory_space<hbm>> -> memref<10000x128xf32, #tpu.memory_space<hbm>>
      tpu.enqueue_indirect_dma source(%dma_start3A_55 : memref<10000x128xf32, #tpu.memory_space<hbm>>) target(%arg8 : memref<128x128xf32, #tpu.memory_space<vmem>>) offsets(%dma_start3A_52 : memref<128xi32, #tpu.memory_space<vmem>>) semaphore(%arg10 : memref<!tpu.dma_semaphore, #tpu.memory_space<semaphore_mem>>)
      %dma_wait3A = arith.constant 0 : i32
      %dma_wait3A_56 = tpu.memref_slice %arg6[%while3A_49, %dma_wait3A] : memref<104x128xi32, #tpu.memory_space<vmem>> -> memref<1x128xi32, #tpu.memory_space<vmem>>
      %dma_wait3A_57 = tpu.memref_squeeze %dma_wait3A_56 : memref<1x128xi32, #tpu.memory_space<vmem>> -> memref<128xi32, #tpu.memory_space<vmem>>
      %dma_wait3A_58 = arith.constant 0 : i32
      %dma_wait3A_59 = arith.constant 0 : i32
      %dma_wait3A_60 = tpu.memref_slice %arg2[%dma_wait3A_58, %dma_wait3A_59] : memref<10000x128xf32, #tpu.memory_space<hbm>> -> memref<10000x128xf32, #tpu.memory_space<hbm>>
      tpu.wait_indirect_dma semaphore(%arg10 : memref<!tpu.dma_semaphore, #tpu.memory_space<semaphore_mem>>) src(%dma_wait3A_60 : memref<10000x128xf32, #tpu.memory_space<hbm>>) dst(%arg8 : memref<128x128xf32, #tpu.memory_space<vmem>>)
      "tpu.region"() ({
        %run_scoped3A = tpu.sem_alloc : memref<!tpu.dma_semaphore, #tpu.memory_space<semaphore_mem>>
        %dma_start3A_62 = arith.constant 0 : i32
        %dma_start3A_63 = tpu.memref_slice %arg7[%while3A_49, %dma_start3A_62] : memref<104x128xi32, #tpu.memory_space<vmem>> -> memref<1x128xi32, #tpu.memory_space<vmem>>
        %dma_start3A_64 = tpu.memref_squeeze %dma_start3A_63 : memref<1x128xi32, #tpu.memory_space<vmem>> -> memref<128xi32, #tpu.memory_space<vmem>>
        %dma_start3A_65 = arith.constant 0 : i32
        %dma_start3A_66 = arith.constant 0 : i32
        %dma_start3A_67 = tpu.memref_slice %arg9[%dma_start3A_65, %dma_start3A_66] : memref<10240x128xf32, #tpu.memory_space<vmem_shared>> -> memref<10240x128xf32, #tpu.memory_space<vmem_shared>>
        tpu.enqueue_indirect_dma source(%arg8 : memref<128x128xf32, #tpu.memory_space<vmem>>) target(%dma_start3A_67 : memref<10240x128xf32, #tpu.memory_space<vmem_shared>>) offsets(%dma_start3A_64 : memref<128xi32, #tpu.memory_space<vmem>>) semaphore(%run_scoped3A : memref<!tpu.dma_semaphore, #tpu.memory_space<semaphore_mem>>) {add = true}
        %dma_wait3A_68 = arith.constant 0 : i32
        %dma_wait3A_69 = tpu.memref_slice %arg7[%while3A_49, %dma_wait3A_68] : memref<104x128xi32, #tpu.memory_space<vmem>> -> memref<1x128xi32, #tpu.memory_space<vmem>>
        %dma_wait3A_70 = tpu.memref_squeeze %dma_wait3A_69 : memref<1x128xi32, #tpu.memory_space<vmem>> -> memref<128xi32, #tpu.memory_space<vmem>>
        %dma_wait3A_71 = arith.constant 0 : i32
        %dma_wait3A_72 = arith.constant 0 : i32
        %dma_wait3A_73 = tpu.memref_slice %arg9[%dma_wait3A_71, %dma_wait3A_72] : memref<10240x128xf32, #tpu.memory_space<vmem_shared>> -> memref<10240x128xf32, #tpu.memory_space<vmem_shared>>
        tpu.wait_indirect_dma semaphore(%run_scoped3A : memref<!tpu.dma_semaphore, #tpu.memory_space<semaphore_mem>>) src(%arg8 : memref<128x128xf32, #tpu.memory_space<vmem>>) dst(%dma_wait3A_73 : memref<10240x128xf32, #tpu.memory_space<vmem_shared>>)
        tpu.yield
      }) : () -> ()
      %while3A_61 = arith.constant 0 : i32
      scf.yield %while3A_61 : i32
    }
    %while3A_44 = arith.constant 1 : i32
    %while3A_45 = scf.for %while3A_49 = %while3A_41 to %while3A_37 step %while3A_44 iter_args(%while3A_50 = %while3A_43) -> (i32)  : i32 {
      %dma_start3A = arith.constant 0 : i32
      %dma_start3A_51 = tpu.memref_slice %arg6[%while3A_49, %dma_start3A] : memref<104x128xi32, #tpu.memory_space<vmem>> -> memref<1x128xi32, #tpu.memory_space<vmem>>
      %dma_start3A_52 = tpu.memref_squeeze %dma_start3A_51 : memref<1x128xi32, #tpu.memory_space<vmem>> -> memref<128xi32, #tpu.memory_space<vmem>>
      %dma_start3A_53 = arith.constant 0 : i32
      %dma_start3A_54 = arith.constant 0 : i32
      %dma_start3A_55 = tpu.memref_slice %arg2[%dma_start3A_53, %dma_start3A_54] : memref<10000x128xf32, #tpu.memory_space<hbm>> -> memref<10000x128xf32, #tpu.memory_space<hbm>>
      tpu.enqueue_indirect_dma source(%dma_start3A_55 : memref<10000x128xf32, #tpu.memory_space<hbm>>) target(%arg8 : memref<128x128xf32, #tpu.memory_space<vmem>>) offsets(%dma_start3A_52 : memref<128xi32, #tpu.memory_space<vmem>>) semaphore(%arg10 : memref<!tpu.dma_semaphore, #tpu.memory_space<semaphore_mem>>)
      %dma_wait3A = arith.constant 0 : i32
      %dma_wait3A_56 = tpu.memref_slice %arg6[%while3A_49, %dma_wait3A] : memref<104x128xi32, #tpu.memory_space<vmem>> -> memref<1x128xi32, #tpu.memory_space<vmem>>
      %dma_wait3A_57 = tpu.memref_squeeze %dma_wait3A_56 : memref<1x128xi32, #tpu.memory_space<vmem>> -> memref<128xi32, #tpu.memory_space<vmem>>
      %dma_wait3A_58 = arith.constant 0 : i32
      %dma_wait3A_59 = arith.constant 0 : i32
      %dma_wait3A_60 = tpu.memref_slice %arg2[%dma_wait3A_58, %dma_wait3A_59] : memref<10000x128xf32, #tpu.memory_space<hbm>> -> memref<10000x128xf32, #tpu.memory_space<hbm>>
      tpu.wait_indirect_dma semaphore(%arg10 : memref<!tpu.dma_semaphore, #tpu.memory_space<semaphore_mem>>) src(%dma_wait3A_60 : memref<10000x128xf32, #tpu.memory_space<hbm>>) dst(%arg8 : memref<128x128xf32, #tpu.memory_space<vmem>>)
      "tpu.region"() ({
        %run_scoped3A = tpu.sem_alloc : memref<!tpu.dma_semaphore, #tpu.memory_space<semaphore_mem>>
        %dma_start3A_62 = arith.constant 0 : i32
        %dma_start3A_63 = tpu.memref_slice %arg7[%while3A_49, %dma_start3A_62] : memref<104x128xi32, #tpu.memory_space<vmem>> -> memref<1x128xi32, #tpu.memory_space<vmem>>
        %dma_start3A_64 = tpu.memref_squeeze %dma_start3A_63 : memref<1x128xi32, #tpu.memory_space<vmem>> -> memref<128xi32, #tpu.memory_space<vmem>>
        %dma_start3A_65 = arith.constant 0 : i32
        %dma_start3A_66 = arith.constant 0 : i32
        %dma_start3A_67 = tpu.memref_slice %arg9[%dma_start3A_65, %dma_start3A_66] : memref<10240x128xf32, #tpu.memory_space<vmem_shared>> -> memref<10240x128xf32, #tpu.memory_space<vmem_shared>>
        tpu.enqueue_indirect_dma source(%arg8 : memref<128x128xf32, #tpu.memory_space<vmem>>) target(%dma_start3A_67 : memref<10240x128xf32, #tpu.memory_space<vmem_shared>>) offsets(%dma_start3A_64 : memref<128xi32, #tpu.memory_space<vmem>>) semaphore(%run_scoped3A : memref<!tpu.dma_semaphore, #tpu.memory_space<semaphore_mem>>) {add = true}
        %dma_wait3A_68 = arith.constant 0 : i32
        %dma_wait3A_69 = tpu.memref_slice %arg7[%while3A_49, %dma_wait3A_68] : memref<104x128xi32, #tpu.memory_space<vmem>> -> memref<1x128xi32, #tpu.memory_space<vmem>>
        %dma_wait3A_70 = tpu.memref_squeeze %dma_wait3A_69 : memref<1x128xi32, #tpu.memory_space<vmem>> -> memref<128xi32, #tpu.memory_space<vmem>>
        %dma_wait3A_71 = arith.constant 0 : i32
        %dma_wait3A_72 = arith.constant 0 : i32
        %dma_wait3A_73 = tpu.memref_slice %arg9[%dma_wait3A_71, %dma_wait3A_72] : memref<10240x128xf32, #tpu.memory_space<vmem_shared>> -> memref<10240x128xf32, #tpu.memory_space<vmem_shared>>
        tpu.wait_indirect_dma semaphore(%run_scoped3A : memref<!tpu.dma_semaphore, #tpu.memory_space<semaphore_mem>>) src(%arg8 : memref<128x128xf32, #tpu.memory_space<vmem>>) dst(%dma_wait3A_73 : memref<10240x128xf32, #tpu.memory_space<vmem_shared>>)
        tpu.yield
      }) : () -> ()
      %while3A_61 = arith.constant 0 : i32
      scf.yield %while3A_61 : i32
    }
    %barrier3A_46 = arith.constant 0 : index
    tpu.barrier barrier_id(%barrier3A_46)
    %mul3A_47 = arith.constant 640 : i32
    %mul3A_48 = arith.muli %arg1, %mul3A_47 : i32
    "tpu.region"() ({
      %run_scoped3A = tpu.sem_alloc : memref<!tpu.dma_semaphore, #tpu.memory_space<semaphore_mem>>
      %dma_start3A = arith.constant 0 : i32
      %dma_start3A_49 = tpu.memref_slice %arg5[%arg0, %mul3A_48, %dma_start3A] : memref<2x10240x128xf32, #tpu.memory_space<hbm>> -> memref<1x640x128xf32, #tpu.memory_space<hbm>>
      %dma_start3A_50 = tpu.memref_squeeze %dma_start3A_49 : memref<1x640x128xf32, #tpu.memory_space<hbm>> -> memref<640x128xf32, #tpu.memory_space<hbm>>
      %dma_start3A_51 = arith.constant 0 : i32
      %dma_start3A_52 = tpu.memref_slice %arg9[%mul3A_48, %dma_start3A_51] : memref<10240x128xf32, #tpu.memory_space<vmem_shared>> -> memref<640x128xf32, #tpu.memory_space<vmem_shared>>
      tpu.enqueue_dma source(%dma_start3A_52 : memref<640x128xf32, #tpu.memory_space<vmem_shared>>) target(%dma_start3A_50 : memref<640x128xf32, #tpu.memory_space<hbm>>) target_semaphore(%run_scoped3A : memref<!tpu.dma_semaphore, #tpu.memory_space<semaphore_mem>>)
      %dma_wait3A = arith.constant 0 : i32
      %dma_wait3A_53 = tpu.memref_slice %arg5[%arg0, %mul3A_48, %dma_wait3A] : memref<2x10240x128xf32, #tpu.memory_space<hbm>> -> memref<1x640x128xf32, #tpu.memory_space<hbm>>
      %dma_wait3A_54 = tpu.memref_squeeze %dma_wait3A_53 : memref<1x640x128xf32, #tpu.memory_space<hbm>> -> memref<640x128xf32, #tpu.memory_space<hbm>>
      %dma_wait3A_55 = arith.constant 0 : i32
      %dma_wait3A_56 = tpu.memref_slice %arg9[%mul3A_48, %dma_wait3A_55] : memref<10240x128xf32, #tpu.memory_space<vmem_shared>> -> memref<640x128xf32, #tpu.memory_space<vmem_shared>>
      tpu.wait_dma2 semaphore(%run_scoped3A : memref<!tpu.dma_semaphore, #tpu.memory_space<semaphore_mem>>) src(%dma_wait3A_56 : memref<640x128xf32, #tpu.memory_space<vmem_shared>>) dst(%dma_wait3A_54 : memref<640x128xf32, #tpu.memory_space<hbm>>)
      tpu.yield
    }) : () -> ()
    return
  }
}

#map = affine_map<(d0, d1) -> (0, 0)>
#map1 = affine_map<(d0, d1) -> (0, 0, 0)>
module attributes {stable_mosaic.version = 14 : i64} {
  func.func @agg_kernel(%arg0: i32, %arg1: i32, %arg2: memref<10000x128xf32, #tpu.memory_space<hbm>>, %arg3: memref<16x160x128xi32, #tpu.memory_space<hbm>>, %arg4: memref<16x160x128xi32, #tpu.memory_space<hbm>>, %arg5: memref<2x10240x128xf32, #tpu.memory_space<hbm>>, %arg6: memref<104x128xi32, #tpu.memory_space<vmem>>, %arg7: memref<104x128xi32, #tpu.memory_space<vmem>>, %arg8: memref<128x128xf32, #tpu.memory_space<vmem>>, %arg9: memref<10240x128xf32, #tpu.memory_space<vmem_shared>>, %arg10: memref<!tpu.dma_semaphore, #tpu.memory_space<semaphore_mem>>) attributes {dimension_semantics = [#tpu.dimension_semantics<core_parallel>, #tpu.dimension_semantics<subcore_parallel>], iteration_bounds = array<i64: 2, 16>, scalar_prefetch = 0 : i64, scratch_operands = 5 : i64, tpu.core_type = #tpu.core_type<sc_vector_subcore>, window_params = [{transform_indices = #map}, {transform_indices = #map1}, {transform_indices = #map1}, {transform_indices = #map1}]} {
    %eq3A = arith.constant 0 : i32
    %eq3A_0 = arith.cmpi eq, %arg0, %eq3A : i32
    %jit3A = arith.constant 0 : i32
    %jit3A_1 = arith.constant 56 : i32
    %select_n3A = arith.select %eq3A_0, %jit3A, %jit3A_1 : i32
    %multiple_of3A = tpu.assume_multiple %select_n3A, 8 : i32
    "tpu.region"() ({
      %run_scoped3A = tpu.sem_alloc : memref<!tpu.dma_semaphore, #tpu.memory_space<semaphore_mem>>
      %dma_start3A = arith.constant 0 : i32
      %dma_start3A_49 = tpu.memref_slice %arg3[%arg1, %multiple_of3A, %dma_start3A] : memref<16x160x128xi32, #tpu.memory_space<hbm>> -> memref<1x104x128xi32, #tpu.memory_space<hbm>>
      %dma_start3A_50 = tpu.memref_squeeze %dma_start3A_49 : memref<1x104x128xi32, #tpu.memory_space<hbm>> -> memref<104x128xi32, #tpu.memory_space<hbm>>
      %dma_start3A_51 = arith.constant 0 : i32
      %dma_start3A_52 = tpu.memref_slice %arg3[%arg1, %multiple_of3A, %dma_start3A_51] : memref<16x160x128xi32, #tpu.memory_space<hbm>> -> memref<1x104x128xi32, #tpu.memory_space<hbm>>
      %dma_start3A_53 = tpu.memref_squeeze %dma_start3A_52 : memref<1x104x128xi32, #tpu.memory_space<hbm>> -> memref<104x128xi32, #tpu.memory_space<hbm>>
      tpu.enqueue_dma source(%dma_start3A_53 : memref<104x128xi32, #tpu.memory_space<hbm>>) target(%arg6 : memref<104x128xi32, #tpu.memory_space<vmem>>) target_semaphore(%run_scoped3A : memref<!tpu.dma_semaphore, #tpu.memory_space<semaphore_mem>>)
      %dma_wait3A = arith.constant 0 : i32
      %dma_wait3A_54 = tpu.memref_slice %arg3[%arg1, %multiple_of3A, %dma_wait3A] : memref<16x160x128xi32, #tpu.memory_space<hbm>> -> memref<1x104x128xi32, #tpu.memory_space<hbm>>
      %dma_wait3A_55 = tpu.memref_squeeze %dma_wait3A_54 : memref<1x104x128xi32, #tpu.memory_space<hbm>> -> memref<104x128xi32, #tpu.memory_space<hbm>>
      %dma_wait3A_56 = arith.constant 0 : i32
      %dma_wait3A_57 = tpu.memref_slice %arg3[%arg1, %multiple_of3A, %dma_wait3A_56] : memref<16x160x128xi32, #tpu.memory_space<hbm>> -> memref<1x104x128xi32, #tpu.memory_space<hbm>>
      %dma_wait3A_58 = tpu.memref_squeeze %dma_wait3A_57 : memref<1x104x128xi32, #tpu.memory_space<hbm>> -> memref<104x128xi32, #tpu.memory_space<hbm>>
      tpu.wait_dma2 semaphore(%run_scoped3A : memref<!tpu.dma_semaphore, #tpu.memory_space<semaphore_mem>>) src(%dma_wait3A_58 : memref<104x128xi32, #tpu.memory_space<hbm>>) dst(%arg6 : memref<104x128xi32, #tpu.memory_space<vmem>>)
      tpu.yield
    }) : () -> ()
    "tpu.region"() ({
      %run_scoped3A = tpu.sem_alloc : memref<!tpu.dma_semaphore, #tpu.memory_space<semaphore_mem>>
      %dma_start3A = arith.constant 0 : i32
      %dma_start3A_49 = tpu.memref_slice %arg4[%arg1, %multiple_of3A, %dma_start3A] : memref<16x160x128xi32, #tpu.memory_space<hbm>> -> memref<1x104x128xi32, #tpu.memory_space<hbm>>
      %dma_start3A_50 = tpu.memref_squeeze %dma_start3A_49 : memref<1x104x128xi32, #tpu.memory_space<hbm>> -> memref<104x128xi32, #tpu.memory_space<hbm>>
      %dma_start3A_51 = arith.constant 0 : i32
      %dma_start3A_52 = tpu.memref_slice %arg4[%arg1, %multiple_of3A, %dma_start3A_51] : memref<16x160x128xi32, #tpu.memory_space<hbm>> -> memref<1x104x128xi32, #tpu.memory_space<hbm>>
      %dma_start3A_53 = tpu.memref_squeeze %dma_start3A_52 : memref<1x104x128xi32, #tpu.memory_space<hbm>> -> memref<104x128xi32, #tpu.memory_space<hbm>>
      tpu.enqueue_dma source(%dma_start3A_53 : memref<104x128xi32, #tpu.memory_space<hbm>>) target(%arg7 : memref<104x128xi32, #tpu.memory_space<vmem>>) target_semaphore(%run_scoped3A : memref<!tpu.dma_semaphore, #tpu.memory_space<semaphore_mem>>)
      %dma_wait3A = arith.constant 0 : i32
      %dma_wait3A_54 = tpu.memref_slice %arg4[%arg1, %multiple_of3A, %dma_wait3A] : memref<16x160x128xi32, #tpu.memory_space<hbm>> -> memref<1x104x128xi32, #tpu.memory_space<hbm>>
      %dma_wait3A_55 = tpu.memref_squeeze %dma_wait3A_54 : memref<1x104x128xi32, #tpu.memory_space<hbm>> -> memref<104x128xi32, #tpu.memory_space<hbm>>
      %dma_wait3A_56 = arith.constant 0 : i32
      %dma_wait3A_57 = tpu.memref_slice %arg4[%arg1, %multiple_of3A, %dma_wait3A_56] : memref<16x160x128xi32, #tpu.memory_space<hbm>> -> memref<1x104x128xi32, #tpu.memory_space<hbm>>
      %dma_wait3A_58 = tpu.memref_squeeze %dma_wait3A_57 : memref<1x104x128xi32, #tpu.memory_space<hbm>> -> memref<104x128xi32, #tpu.memory_space<hbm>>
      tpu.wait_dma2 semaphore(%run_scoped3A : memref<!tpu.dma_semaphore, #tpu.memory_space<semaphore_mem>>) src(%dma_wait3A_58 : memref<104x128xi32, #tpu.memory_space<hbm>>) dst(%arg7 : memref<104x128xi32, #tpu.memory_space<vmem>>)
      tpu.yield
    }) : () -> ()
    %scan3A = arith.constant 0 : i32
    %scan3A_2 = arith.constant 0 : i32
    %scan3A_3 = arith.constant 128 : i32
    %scan3A_4 = arith.addi %scan3A_2, %scan3A_3 : i32
    %scan3A_5 = arith.constant 1 : i32
    %scan3A_6 = scf.for %scan3A_49 = %scan3A_2 to %scan3A_4 step %scan3A_5 iter_args(%scan3A_50 = %scan3A) -> (i32)  : i32 {
      %broadcast_in_dim3A = arith.constant 0.000000e+00 : f32
      %broadcast_in_dim3A_51 = vector.broadcast %broadcast_in_dim3A : f32 to vector<16xf32>
      %swap3A = arith.index_cast %scan3A_49 : i32 to index
      %swap3A_52 = arith.constant 0 : index
      %swap3A_53 = tpu.vector_load %arg8[%swap3A, %swap3A_52] {strides = array<i32>} : memref<128x128xf32, #tpu.memory_space<vmem>>, vector<1x16xf32>,
      %swap3A_54 = vector.shape_cast %swap3A_53 : vector<1x16xf32> to vector<16xf32>
      %swap3A_55 = vector.shape_cast %broadcast_in_dim3A_51 : vector<16xf32> to vector<1x16xf32>
      tpu.vector_store %arg8[%swap3A, %swap3A_52], %swap3A_55 {strides = array<i32>} : memref<128x128xf32, #tpu.memory_space<vmem>>, vector<1x16xf32>,
      %broadcast_in_dim3A_56 = arith.constant 0.000000e+00 : f32
      %broadcast_in_dim3A_57 = vector.broadcast %broadcast_in_dim3A_56 : f32 to vector<16xf32>
      %swap3A_58 = arith.index_cast %scan3A_49 : i32 to index
      %swap3A_59 = arith.constant 16 : index
      %swap3A_60 = tpu.vector_load %arg8[%swap3A_58, %swap3A_59] {strides = array<i32>} : memref<128x128xf32, #tpu.memory_space<vmem>>, vector<1x16xf32>,
      %swap3A_61 = vector.shape_cast %swap3A_60 : vector<1x16xf32> to vector<16xf32>
      %swap3A_62 = vector.shape_cast %broadcast_in_dim3A_57 : vector<16xf32> to vector<1x16xf32>
      tpu.vector_store %arg8[%swap3A_58, %swap3A_59], %swap3A_62 {strides = array<i32>} : memref<128x128xf32, #tpu.memory_space<vmem>>, vector<1x16xf32>,
      %broadcast_in_dim3A_63 = arith.constant 0.000000e+00 : f32
      %broadcast_in_dim3A_64 = vector.broadcast %broadcast_in_dim3A_63 : f32 to vector<16xf32>
      %swap3A_65 = arith.index_cast %scan3A_49 : i32 to index
      %swap3A_66 = arith.constant 32 : index
      %swap3A_67 = tpu.vector_load %arg8[%swap3A_65, %swap3A_66] {strides = array<i32>} : memref<128x128xf32, #tpu.memory_space<vmem>>, vector<1x16xf32>,
      %swap3A_68 = vector.shape_cast %swap3A_67 : vector<1x16xf32> to vector<16xf32>
      %swap3A_69 = vector.shape_cast %broadcast_in_dim3A_64 : vector<16xf32> to vector<1x16xf32>
      tpu.vector_store %arg8[%swap3A_65, %swap3A_66], %swap3A_69 {strides = array<i32>} : memref<128x128xf32, #tpu.memory_space<vmem>>, vector<1x16xf32>,
      %broadcast_in_dim3A_70 = arith.constant 0.000000e+00 : f32
      %broadcast_in_dim3A_71 = vector.broadcast %broadcast_in_dim3A_70 : f32 to vector<16xf32>
      %swap3A_72 = arith.index_cast %scan3A_49 : i32 to index
      %swap3A_73 = arith.constant 48 : index
      %swap3A_74 = tpu.vector_load %arg8[%swap3A_72, %swap3A_73] {strides = array<i32>} : memref<128x128xf32, #tpu.memory_space<vmem>>, vector<1x16xf32>,
      %swap3A_75 = vector.shape_cast %swap3A_74 : vector<1x16xf32> to vector<16xf32>
      %swap3A_76 = vector.shape_cast %broadcast_in_dim3A_71 : vector<16xf32> to vector<1x16xf32>
      tpu.vector_store %arg8[%swap3A_72, %swap3A_73], %swap3A_76 {strides = array<i32>} : memref<128x128xf32, #tpu.memory_space<vmem>>, vector<1x16xf32>,
      %broadcast_in_dim3A_77 = arith.constant 0.000000e+00 : f32
      %broadcast_in_dim3A_78 = vector.broadcast %broadcast_in_dim3A_77 : f32 to vector<16xf32>
      %swap3A_79 = arith.index_cast %scan3A_49 : i32 to index
      %swap3A_80 = arith.constant 64 : index
      %swap3A_81 = tpu.vector_load %arg8[%swap3A_79, %swap3A_80] {strides = array<i32>} : memref<128x128xf32, #tpu.memory_space<vmem>>, vector<1x16xf32>,
      %swap3A_82 = vector.shape_cast %swap3A_81 : vector<1x16xf32> to vector<16xf32>
      %swap3A_83 = vector.shape_cast %broadcast_in_dim3A_78 : vector<16xf32> to vector<1x16xf32>
      tpu.vector_store %arg8[%swap3A_79, %swap3A_80], %swap3A_83 {strides = array<i32>} : memref<128x128xf32, #tpu.memory_space<vmem>>, vector<1x16xf32>,
      %broadcast_in_dim3A_84 = arith.constant 0.000000e+00 : f32
      %broadcast_in_dim3A_85 = vector.broadcast %broadcast_in_dim3A_84 : f32 to vector<16xf32>
      %swap3A_86 = arith.index_cast %scan3A_49 : i32 to index
      %swap3A_87 = arith.constant 80 : index
      %swap3A_88 = tpu.vector_load %arg8[%swap3A_86, %swap3A_87] {strides = array<i32>} : memref<128x128xf32, #tpu.memory_space<vmem>>, vector<1x16xf32>,
      %swap3A_89 = vector.shape_cast %swap3A_88 : vector<1x16xf32> to vector<16xf32>
      %swap3A_90 = vector.shape_cast %broadcast_in_dim3A_85 : vector<16xf32> to vector<1x16xf32>
      tpu.vector_store %arg8[%swap3A_86, %swap3A_87], %swap3A_90 {strides = array<i32>} : memref<128x128xf32, #tpu.memory_space<vmem>>, vector<1x16xf32>,
      %broadcast_in_dim3A_91 = arith.constant 0.000000e+00 : f32
      %broadcast_in_dim3A_92 = vector.broadcast %broadcast_in_dim3A_91 : f32 to vector<16xf32>
      %swap3A_93 = arith.index_cast %scan3A_49 : i32 to index
      %swap3A_94 = arith.constant 96 : index
      %swap3A_95 = tpu.vector_load %arg8[%swap3A_93, %swap3A_94] {strides = array<i32>} : memref<128x128xf32, #tpu.memory_space<vmem>>, vector<1x16xf32>,
      %swap3A_96 = vector.shape_cast %swap3A_95 : vector<1x16xf32> to vector<16xf32>
      %swap3A_97 = vector.shape_cast %broadcast_in_dim3A_92 : vector<16xf32> to vector<1x16xf32>
      tpu.vector_store %arg8[%swap3A_93, %swap3A_94], %swap3A_97 {strides = array<i32>} : memref<128x128xf32, #tpu.memory_space<vmem>>, vector<1x16xf32>,
      %broadcast_in_dim3A_98 = arith.constant 0.000000e+00 : f32
      %broadcast_in_dim3A_99 = vector.broadcast %broadcast_in_dim3A_98 : f32 to vector<16xf32>
      %swap3A_100 = arith.index_cast %scan3A_49 : i32 to index
      %swap3A_101 = arith.constant 112 : index
      %swap3A_102 = tpu.vector_load %arg8[%swap3A_100, %swap3A_101] {strides = array<i32>} : memref<128x128xf32, #tpu.memory_space<vmem>>, vector<1x16xf32>,
      %swap3A_103 = vector.shape_cast %swap3A_102 : vector<1x16xf32> to vector<16xf32>
      %swap3A_104 = vector.shape_cast %broadcast_in_dim3A_99 : vector<16xf32> to vector<1x16xf32>
      tpu.vector_store %arg8[%swap3A_100, %swap3A_101], %swap3A_104 {strides = array<i32>} : memref<128x128xf32, #tpu.memory_space<vmem>>, vector<1x16xf32>,
      %scan3A_105 = arith.constant 0 : i32
      scf.yield %scan3A_105 : i32
    }
    %scan3A_7 = arith.constant 128 : i32
    %mul3A = arith.constant 640 : i32
    %mul3A_8 = arith.muli %arg1, %mul3A : i32
    %add3A = arith.constant 0 : i32
    %add3A_9 = arith.addi %mul3A_8, %add3A : i32
    "tpu.region"() ({
      %run_scoped3A = tpu.sem_alloc : memref<!tpu.dma_semaphore, #tpu.memory_space<semaphore_mem>>
      %dma_start3A = arith.constant 0 : i32
      %dma_start3A_49 = tpu.memref_slice %arg9[%add3A_9, %dma_start3A] : memref<10240x128xf32, #tpu.memory_space<vmem_shared>> -> memref<128x128xf32, #tpu.memory_space<vmem_shared>>
      %dma_start3A_50 = arith.constant 0 : i32
      %dma_start3A_51 = tpu.memref_slice %arg9[%add3A_9, %dma_start3A_50] : memref<10240x128xf32, #tpu.memory_space<vmem_shared>> -> memref<128x128xf32, #tpu.memory_space<vmem_shared>>
      tpu.enqueue_dma source(%arg8 : memref<128x128xf32, #tpu.memory_space<vmem>>) target(%dma_start3A_51 : memref<128x128xf32, #tpu.memory_space<vmem_shared>>) target_semaphore(%run_scoped3A : memref<!tpu.dma_semaphore, #tpu.memory_space<semaphore_mem>>)
      %dma_wait3A = arith.constant 0 : i32
      %dma_wait3A_52 = tpu.memref_slice %arg9[%add3A_9, %dma_wait3A] : memref<10240x128xf32, #tpu.memory_space<vmem_shared>> -> memref<128x128xf32, #tpu.memory_space<vmem_shared>>
      %dma_wait3A_53 = arith.constant 0 : i32
      %dma_wait3A_54 = tpu.memref_slice %arg9[%add3A_9, %dma_wait3A_53] : memref<10240x128xf32, #tpu.memory_space<vmem_shared>> -> memref<128x128xf32, #tpu.memory_space<vmem_shared>>
      tpu.wait_dma2 semaphore(%run_scoped3A : memref<!tpu.dma_semaphore, #tpu.memory_space<semaphore_mem>>) src(%arg8 : memref<128x128xf32, #tpu.memory_space<vmem>>) dst(%dma_wait3A_54 : memref<128x128xf32, #tpu.memory_space<vmem_shared>>)
      tpu.yield
    }) : () -> ()
    %mul3A_10 = arith.constant 640 : i32
    %mul3A_11 = arith.muli %arg1, %mul3A_10 : i32
    %add3A_12 = arith.constant 128 : i32
    %add3A_13 = arith.addi %mul3A_11, %add3A_12 : i32
    "tpu.region"() ({
      %run_scoped3A = tpu.sem_alloc : memref<!tpu.dma_semaphore, #tpu.memory_space<semaphore_mem>>
      %dma_start3A = arith.constant 0 : i32
      %dma_start3A_49 = tpu.memref_slice %arg9[%add3A_13, %dma_start3A] : memref<10240x128xf32, #tpu.memory_space<vmem_shared>> -> memref<128x128xf32, #tpu.memory_space<vmem_shared>>
      %dma_start3A_50 = arith.constant 0 : i32
      %dma_start3A_51 = tpu.memref_slice %arg9[%add3A_13, %dma_start3A_50] : memref<10240x128xf32, #tpu.memory_space<vmem_shared>> -> memref<128x128xf32, #tpu.memory_space<vmem_shared>>
      tpu.enqueue_dma source(%arg8 : memref<128x128xf32, #tpu.memory_space<vmem>>) target(%dma_start3A_51 : memref<128x128xf32, #tpu.memory_space<vmem_shared>>) target_semaphore(%run_scoped3A : memref<!tpu.dma_semaphore, #tpu.memory_space<semaphore_mem>>)
      %dma_wait3A = arith.constant 0 : i32
      %dma_wait3A_52 = tpu.memref_slice %arg9[%add3A_13, %dma_wait3A] : memref<10240x128xf32, #tpu.memory_space<vmem_shared>> -> memref<128x128xf32, #tpu.memory_space<vmem_shared>>
      %dma_wait3A_53 = arith.constant 0 : i32
      %dma_wait3A_54 = tpu.memref_slice %arg9[%add3A_13, %dma_wait3A_53] : memref<10240x128xf32, #tpu.memory_space<vmem_shared>> -> memref<128x128xf32, #tpu.memory_space<vmem_shared>>
      tpu.wait_dma2 semaphore(%run_scoped3A : memref<!tpu.dma_semaphore, #tpu.memory_space<semaphore_mem>>) src(%arg8 : memref<128x128xf32, #tpu.memory_space<vmem>>) dst(%dma_wait3A_54 : memref<128x128xf32, #tpu.memory_space<vmem_shared>>)
      tpu.yield
    }) : () -> ()
    %mul3A_14 = arith.constant 640 : i32
    %mul3A_15 = arith.muli %arg1, %mul3A_14 : i32
    %add3A_16 = arith.constant 256 : i32
    %add3A_17 = arith.addi %mul3A_15, %add3A_16 : i32
    "tpu.region"() ({
      %run_scoped3A = tpu.sem_alloc : memref<!tpu.dma_semaphore, #tpu.memory_space<semaphore_mem>>
      %dma_start3A = arith.constant 0 : i32
      %dma_start3A_49 = tpu.memref_slice %arg9[%add3A_17, %dma_start3A] : memref<10240x128xf32, #tpu.memory_space<vmem_shared>> -> memref<128x128xf32, #tpu.memory_space<vmem_shared>>
      %dma_start3A_50 = arith.constant 0 : i32
      %dma_start3A_51 = tpu.memref_slice %arg9[%add3A_17, %dma_start3A_50] : memref<10240x128xf32, #tpu.memory_space<vmem_shared>> -> memref<128x128xf32, #tpu.memory_space<vmem_shared>>
      tpu.enqueue_dma source(%arg8 : memref<128x128xf32, #tpu.memory_space<vmem>>) target(%dma_start3A_51 : memref<128x128xf32, #tpu.memory_space<vmem_shared>>) target_semaphore(%run_scoped3A : memref<!tpu.dma_semaphore, #tpu.memory_space<semaphore_mem>>)
      %dma_wait3A = arith.constant 0 : i32
      %dma_wait3A_52 = tpu.memref_slice %arg9[%add3A_17, %dma_wait3A] : memref<10240x128xf32, #tpu.memory_space<vmem_shared>> -> memref<128x128xf32, #tpu.memory_space<vmem_shared>>
      %dma_wait3A_53 = arith.constant 0 : i32
      %dma_wait3A_54 = tpu.memref_slice %arg9[%add3A_17, %dma_wait3A_53] : memref<10240x128xf32, #tpu.memory_space<vmem_shared>> -> memref<128x128xf32, #tpu.memory_space<vmem_shared>>
      tpu.wait_dma2 semaphore(%run_scoped3A : memref<!tpu.dma_semaphore, #tpu.memory_space<semaphore_mem>>) src(%arg8 : memref<128x128xf32, #tpu.memory_space<vmem>>) dst(%dma_wait3A_54 : memref<128x128xf32, #tpu.memory_space<vmem_shared>>)
      tpu.yield
    }) : () -> ()
    %mul3A_18 = arith.constant 640 : i32
    %mul3A_19 = arith.muli %arg1, %mul3A_18 : i32
    %add3A_20 = arith.constant 384 : i32
    %add3A_21 = arith.addi %mul3A_19, %add3A_20 : i32
    "tpu.region"() ({
      %run_scoped3A = tpu.sem_alloc : memref<!tpu.dma_semaphore, #tpu.memory_space<semaphore_mem>>
      %dma_start3A = arith.constant 0 : i32
      %dma_start3A_49 = tpu.memref_slice %arg9[%add3A_21, %dma_start3A] : memref<10240x128xf32, #tpu.memory_space<vmem_shared>> -> memref<128x128xf32, #tpu.memory_space<vmem_shared>>
      %dma_start3A_50 = arith.constant 0 : i32
      %dma_start3A_51 = tpu.memref_slice %arg9[%add3A_21, %dma_start3A_50] : memref<10240x128xf32, #tpu.memory_space<vmem_shared>> -> memref<128x128xf32, #tpu.memory_space<vmem_shared>>
      tpu.enqueue_dma source(%arg8 : memref<128x128xf32, #tpu.memory_space<vmem>>) target(%dma_start3A_51 : memref<128x128xf32, #tpu.memory_space<vmem_shared>>) target_semaphore(%run_scoped3A : memref<!tpu.dma_semaphore, #tpu.memory_space<semaphore_mem>>)
      %dma_wait3A = arith.constant 0 : i32
      %dma_wait3A_52 = tpu.memref_slice %arg9[%add3A_21, %dma_wait3A] : memref<10240x128xf32, #tpu.memory_space<vmem_shared>> -> memref<128x128xf32, #tpu.memory_space<vmem_shared>>
      %dma_wait3A_53 = arith.constant 0 : i32
      %dma_wait3A_54 = tpu.memref_slice %arg9[%add3A_21, %dma_wait3A_53] : memref<10240x128xf32, #tpu.memory_space<vmem_shared>> -> memref<128x128xf32, #tpu.memory_space<vmem_shared>>
      tpu.wait_dma2 semaphore(%run_scoped3A : memref<!tpu.dma_semaphore, #tpu.memory_space<semaphore_mem>>) src(%arg8 : memref<128x128xf32, #tpu.memory_space<vmem>>) dst(%dma_wait3A_54 : memref<128x128xf32, #tpu.memory_space<vmem_shared>>)
      tpu.yield
    }) : () -> ()
    %mul3A_22 = arith.constant 640 : i32
    %mul3A_23 = arith.muli %arg1, %mul3A_22 : i32
    %add3A_24 = arith.constant 512 : i32
    %add3A_25 = arith.addi %mul3A_23, %add3A_24 : i32
    "tpu.region"() ({
      %run_scoped3A = tpu.sem_alloc : memref<!tpu.dma_semaphore, #tpu.memory_space<semaphore_mem>>
      %dma_start3A = arith.constant 0 : i32
      %dma_start3A_49 = tpu.memref_slice %arg9[%add3A_25, %dma_start3A] : memref<10240x128xf32, #tpu.memory_space<vmem_shared>> -> memref<128x128xf32, #tpu.memory_space<vmem_shared>>
      %dma_start3A_50 = arith.constant 0 : i32
      %dma_start3A_51 = tpu.memref_slice %arg9[%add3A_25, %dma_start3A_50] : memref<10240x128xf32, #tpu.memory_space<vmem_shared>> -> memref<128x128xf32, #tpu.memory_space<vmem_shared>>
      tpu.enqueue_dma source(%arg8 : memref<128x128xf32, #tpu.memory_space<vmem>>) target(%dma_start3A_51 : memref<128x128xf32, #tpu.memory_space<vmem_shared>>) target_semaphore(%run_scoped3A : memref<!tpu.dma_semaphore, #tpu.memory_space<semaphore_mem>>)
      %dma_wait3A = arith.constant 0 : i32
      %dma_wait3A_52 = tpu.memref_slice %arg9[%add3A_25, %dma_wait3A] : memref<10240x128xf32, #tpu.memory_space<vmem_shared>> -> memref<128x128xf32, #tpu.memory_space<vmem_shared>>
      %dma_wait3A_53 = arith.constant 0 : i32
      %dma_wait3A_54 = tpu.memref_slice %arg9[%add3A_25, %dma_wait3A_53] : memref<10240x128xf32, #tpu.memory_space<vmem_shared>> -> memref<128x128xf32, #tpu.memory_space<vmem_shared>>
      tpu.wait_dma2 semaphore(%run_scoped3A : memref<!tpu.dma_semaphore, #tpu.memory_space<semaphore_mem>>) src(%arg8 : memref<128x128xf32, #tpu.memory_space<vmem>>) dst(%dma_wait3A_54 : memref<128x128xf32, #tpu.memory_space<vmem_shared>>)
      tpu.yield
    }) : () -> ()
    %barrier3A = arith.constant 0 : index
    tpu.barrier barrier_id(%barrier3A)
    %eq3A_26 = arith.constant 0 : i32
    %eq3A_27 = arith.cmpi eq, %arg0, %eq3A_26 : i32
    %jit3A_28 = arith.constant 0 : i32
    %jit3A_29 = arith.constant 48 : i32
    %select_n3A_30 = arith.select %eq3A_27, %jit3A_28, %jit3A_29 : i32
    %eq3A_31 = arith.constant 0 : i32
    %eq3A_32 = arith.cmpi eq, %arg0, %eq3A_31 : i32
    %jit3A_33 = arith.constant 104 : i32
    %jit3A_34 = arith.constant 104 : i32
    %select_n3A_35 = arith.select %eq3A_32, %jit3A_33, %jit3A_34 : i32
    %while3A = arith.constant 0 : i32
    %while3A_36 = arith.subi %select_n3A_35, %select_n3A_30 : i32
    %while3A_37 = arith.addi %select_n3A_30, %while3A_36 : i32
    %while3A_38 = arith.constant 1 : i32
    %while3A_39 = arith.divsi %while3A_36, %while3A_38 : i32
    %while3A_40 = arith.muli %while3A_39, %while3A_38 : i32
    %while3A_41 = arith.addi %select_n3A_30, %while3A_40 : i32
    %while3A_42 = arith.constant 1 : i32
    %while3A_43 = scf.for %while3A_49 = %select_n3A_30 to %while3A_41 step %while3A_42 iter_args(%while3A_50 = %while3A) -> (i32)  : i32 {
      %dma_start3A = arith.constant 0 : i32
      %dma_start3A_51 = tpu.memref_slice %arg6[%while3A_49, %dma_start3A] : memref<104x128xi32, #tpu.memory_space<vmem>> -> memref<1x128xi32, #tpu.memory_space<vmem>>
      %dma_start3A_52 = tpu.memref_squeeze %dma_start3A_51 : memref<1x128xi32, #tpu.memory_space<vmem>> -> memref<128xi32, #tpu.memory_space<vmem>>
      %dma_start3A_53 = arith.constant 0 : i32
      %dma_start3A_54 = arith.constant 0 : i32
      %dma_start3A_55 = tpu.memref_slice %arg2[%dma_start3A_53, %dma_start3A_54] : memref<10000x128xf32, #tpu.memory_space<hbm>> -> memref<10000x128xf32, #tpu.memory_space<hbm>>
      tpu.enqueue_indirect_dma source(%dma_start3A_55 : memref<10000x128xf32, #tpu.memory_space<hbm>>) target(%arg8 : memref<128x128xf32, #tpu.memory_space<vmem>>) offsets(%dma_start3A_52 : memref<128xi32, #tpu.memory_space<vmem>>) semaphore(%arg10 : memref<!tpu.dma_semaphore, #tpu.memory_space<semaphore_mem>>)
      %dma_wait3A = arith.constant 0 : i32
      %dma_wait3A_56 = tpu.memref_slice %arg6[%while3A_49, %dma_wait3A] : memref<104x128xi32, #tpu.memory_space<vmem>> -> memref<1x128xi32, #tpu.memory_space<vmem>>
      %dma_wait3A_57 = tpu.memref_squeeze %dma_wait3A_56 : memref<1x128xi32, #tpu.memory_space<vmem>> -> memref<128xi32, #tpu.memory_space<vmem>>
      %dma_wait3A_58 = arith.constant 0 : i32
      %dma_wait3A_59 = arith.constant 0 : i32
      %dma_wait3A_60 = tpu.memref_slice %arg2[%dma_wait3A_58, %dma_wait3A_59] : memref<10000x128xf32, #tpu.memory_space<hbm>> -> memref<10000x128xf32, #tpu.memory_space<hbm>>
      tpu.wait_indirect_dma semaphore(%arg10 : memref<!tpu.dma_semaphore, #tpu.memory_space<semaphore_mem>>) src(%dma_wait3A_60 : memref<10000x128xf32, #tpu.memory_space<hbm>>) dst(%arg8 : memref<128x128xf32, #tpu.memory_space<vmem>>)
      "tpu.region"() ({
        %run_scoped3A = tpu.sem_alloc : memref<!tpu.dma_semaphore, #tpu.memory_space<semaphore_mem>>
        %dma_start3A_62 = arith.constant 0 : i32
        %dma_start3A_63 = tpu.memref_slice %arg7[%while3A_49, %dma_start3A_62] : memref<104x128xi32, #tpu.memory_space<vmem>> -> memref<1x128xi32, #tpu.memory_space<vmem>>
        %dma_start3A_64 = tpu.memref_squeeze %dma_start3A_63 : memref<1x128xi32, #tpu.memory_space<vmem>> -> memref<128xi32, #tpu.memory_space<vmem>>
        %dma_start3A_65 = arith.constant 0 : i32
        %dma_start3A_66 = arith.constant 0 : i32
        %dma_start3A_67 = tpu.memref_slice %arg9[%dma_start3A_65, %dma_start3A_66] : memref<10240x128xf32, #tpu.memory_space<vmem_shared>> -> memref<10240x128xf32, #tpu.memory_space<vmem_shared>>
        tpu.enqueue_indirect_dma source(%arg8 : memref<128x128xf32, #tpu.memory_space<vmem>>) target(%dma_start3A_67 : memref<10240x128xf32, #tpu.memory_space<vmem_shared>>) offsets(%dma_start3A_64 : memref<128xi32, #tpu.memory_space<vmem>>) semaphore(%run_scoped3A : memref<!tpu.dma_semaphore, #tpu.memory_space<semaphore_mem>>) {add = true}
        %dma_wait3A_68 = arith.constant 0 : i32
        %dma_wait3A_69 = tpu.memref_slice %arg7[%while3A_49, %dma_wait3A_68] : memref<104x128xi32, #tpu.memory_space<vmem>> -> memref<1x128xi32, #tpu.memory_space<vmem>>
        %dma_wait3A_70 = tpu.memref_squeeze %dma_wait3A_69 : memref<1x128xi32, #tpu.memory_space<vmem>> -> memref<128xi32, #tpu.memory_space<vmem>>
        %dma_wait3A_71 = arith.constant 0 : i32
        %dma_wait3A_72 = arith.constant 0 : i32
        %dma_wait3A_73 = tpu.memref_slice %arg9[%dma_wait3A_71, %dma_wait3A_72] : memref<10240x128xf32, #tpu.memory_space<vmem_shared>> -> memref<10240x128xf32, #tpu.memory_space<vmem_shared>>
        tpu.wait_indirect_dma semaphore(%run_scoped3A : memref<!tpu.dma_semaphore, #tpu.memory_space<semaphore_mem>>) src(%arg8 : memref<128x128xf32, #tpu.memory_space<vmem>>) dst(%dma_wait3A_73 : memref<10240x128xf32, #tpu.memory_space<vmem_shared>>)
        tpu.yield
      }) : () -> ()
      %while3A_61 = arith.constant 0 : i32
      scf.yield %while3A_61 : i32
    }
    %while3A_44 = arith.constant 1 : i32
    %while3A_45 = scf.for %while3A_49 = %while3A_41 to %while3A_37 step %while3A_44 iter_args(%while3A_50 = %while3A_43) -> (i32)  : i32 {
      %dma_start3A = arith.constant 0 : i32
      %dma_start3A_51 = tpu.memref_slice %arg6[%while3A_49, %dma_start3A] : memref<104x128xi32, #tpu.memory_space<vmem>> -> memref<1x128xi32, #tpu.memory_space<vmem>>
      %dma_start3A_52 = tpu.memref_squeeze %dma_start3A_51 : memref<1x128xi32, #tpu.memory_space<vmem>> -> memref<128xi32, #tpu.memory_space<vmem>>
      %dma_start3A_53 = arith.constant 0 : i32
      %dma_start3A_54 = arith.constant 0 : i32
      %dma_start3A_55 = tpu.memref_slice %arg2[%dma_start3A_53, %dma_start3A_54] : memref<10000x128xf32, #tpu.memory_space<hbm>> -> memref<10000x128xf32, #tpu.memory_space<hbm>>
      tpu.enqueue_indirect_dma source(%dma_start3A_55 : memref<10000x128xf32, #tpu.memory_space<hbm>>) target(%arg8 : memref<128x128xf32, #tpu.memory_space<vmem>>) offsets(%dma_start3A_52 : memref<128xi32, #tpu.memory_space<vmem>>) semaphore(%arg10 : memref<!tpu.dma_semaphore, #tpu.memory_space<semaphore_mem>>)
      %dma_wait3A = arith.constant 0 : i32
      %dma_wait3A_56 = tpu.memref_slice %arg6[%while3A_49, %dma_wait3A] : memref<104x128xi32, #tpu.memory_space<vmem>> -> memref<1x128xi32, #tpu.memory_space<vmem>>
      %dma_wait3A_57 = tpu.memref_squeeze %dma_wait3A_56 : memref<1x128xi32, #tpu.memory_space<vmem>> -> memref<128xi32, #tpu.memory_space<vmem>>
      %dma_wait3A_58 = arith.constant 0 : i32
      %dma_wait3A_59 = arith.constant 0 : i32
      %dma_wait3A_60 = tpu.memref_slice %arg2[%dma_wait3A_58, %dma_wait3A_59] : memref<10000x128xf32, #tpu.memory_space<hbm>> -> memref<10000x128xf32, #tpu.memory_space<hbm>>
      tpu.wait_indirect_dma semaphore(%arg10 : memref<!tpu.dma_semaphore, #tpu.memory_space<semaphore_mem>>) src(%dma_wait3A_60 : memref<10000x128xf32, #tpu.memory_space<hbm>>) dst(%arg8 : memref<128x128xf32, #tpu.memory_space<vmem>>)
      "tpu.region"() ({
        %run_scoped3A = tpu.sem_alloc : memref<!tpu.dma_semaphore, #tpu.memory_space<semaphore_mem>>
        %dma_start3A_62 = arith.constant 0 : i32
        %dma_start3A_63 = tpu.memref_slice %arg7[%while3A_49, %dma_start3A_62] : memref<104x128xi32, #tpu.memory_space<vmem>> -> memref<1x128xi32, #tpu.memory_space<vmem>>
        %dma_start3A_64 = tpu.memref_squeeze %dma_start3A_63 : memref<1x128xi32, #tpu.memory_space<vmem>> -> memref<128xi32, #tpu.memory_space<vmem>>
        %dma_start3A_65 = arith.constant 0 : i32
        %dma_start3A_66 = arith.constant 0 : i32
        %dma_start3A_67 = tpu.memref_slice %arg9[%dma_start3A_65, %dma_start3A_66] : memref<10240x128xf32, #tpu.memory_space<vmem_shared>> -> memref<10240x128xf32, #tpu.memory_space<vmem_shared>>
        tpu.enqueue_indirect_dma source(%arg8 : memref<128x128xf32, #tpu.memory_space<vmem>>) target(%dma_start3A_67 : memref<10240x128xf32, #tpu.memory_space<vmem_shared>>) offsets(%dma_start3A_64 : memref<128xi32, #tpu.memory_space<vmem>>) semaphore(%run_scoped3A : memref<!tpu.dma_semaphore, #tpu.memory_space<semaphore_mem>>) {add = true}
        %dma_wait3A_68 = arith.constant 0 : i32
        %dma_wait3A_69 = tpu.memref_slice %arg7[%while3A_49, %dma_wait3A_68] : memref<104x128xi32, #tpu.memory_space<vmem>> -> memref<1x128xi32, #tpu.memory_space<vmem>>
        %dma_wait3A_70 = tpu.memref_squeeze %dma_wait3A_69 : memref<1x128xi32, #tpu.memory_space<vmem>> -> memref<128xi32, #tpu.memory_space<vmem>>
        %dma_wait3A_71 = arith.constant 0 : i32
        %dma_wait3A_72 = arith.constant 0 : i32
        %dma_wait3A_73 = tpu.memref_slice %arg9[%dma_wait3A_71, %dma_wait3A_72] : memref<10240x128xf32, #tpu.memory_space<vmem_shared>> -> memref<10240x128xf32, #tpu.memory_space<vmem_shared>>
        tpu.wait_indirect_dma semaphore(%run_scoped3A : memref<!tpu.dma_semaphore, #tpu.memory_space<semaphore_mem>>) src(%arg8 : memref<128x128xf32, #tpu.memory_space<vmem>>) dst(%dma_wait3A_73 : memref<10240x128xf32, #tpu.memory_space<vmem_shared>>)
        tpu.yield
      }) : () -> ()
      %while3A_61 = arith.constant 0 : i32
      scf.yield %while3A_61 : i32
    }
    %barrier3A_46 = arith.constant 0 : index
    tpu.barrier barrier_id(%barrier3A_46)
    %mul3A_47 = arith.constant 640 : i32
    %mul3A_48 = arith.muli %arg1, %mul3A_47 : i32
    "tpu.region"() ({
      %run_scoped3A = tpu.sem_alloc : memref<!tpu.dma_semaphore, #tpu.memory_space<semaphore_mem>>
      %dma_start3A = arith.constant 0 : i32
      %dma_start3A_49 = tpu.memref_slice %arg5[%arg0, %mul3A_48, %dma_start3A] : memref<2x10240x128xf32, #tpu.memory_space<hbm>> -> memref<1x640x128xf32, #tpu.memory_space<hbm>>
      %dma_start3A_50 = tpu.memref_squeeze %dma_start3A_49 : memref<1x640x128xf32, #tpu.memory_space<hbm>> -> memref<640x128xf32, #tpu.memory_space<hbm>>
      %dma_start3A_51 = arith.constant 0 : i32
      %dma_start3A_52 = tpu.memref_slice %arg9[%mul3A_48, %dma_start3A_51] : memref<10240x128xf32, #tpu.memory_space<vmem_shared>> -> memref<640x128xf32, #tpu.memory_space<vmem_shared>>
      tpu.enqueue_dma source(%dma_start3A_52 : memref<640x128xf32, #tpu.memory_space<vmem_shared>>) target(%dma_start3A_50 : memref<640x128xf32, #tpu.memory_space<hbm>>) target_semaphore(%run_scoped3A : memref<!tpu.dma_semaphore, #tpu.memory_space<semaphore_mem>>)
      %dma_wait3A = arith.constant 0 : i32
      %dma_wait3A_53 = tpu.memref_slice %arg5[%arg0, %mul3A_48, %dma_wait3A] : memref<2x10240x128xf32, #tpu.memory_space<hbm>> -> memref<1x640x128xf32, #tpu.memory_space<hbm>>
      %dma_wait3A_54 = tpu.memref_squeeze %dma_wait3A_53 : memref<1x640x128xf32, #tpu.memory_space<hbm>> -> memref<640x128xf32, #tpu.memory_space<hbm>>
      %dma_wait3A_55 = arith.constant 0 : i32
      %dma_wait3A_56 = tpu.memref_slice %arg9[%mul3A_48, %dma_wait3A_55] : memref<10240x128xf32, #tpu.memory_space<vmem_shared>> -> memref<640x128xf32, #tpu.memory_space<vmem_shared>>
      tpu.wait_dma2 semaphore(%run_scoped3A : memref<!tpu.dma_semaphore, #tpu.memory_space<semaphore_mem>>) src(%dma_wait3A_56 : memref<640x128xf32, #tpu.memory_space<vmem_shared>>) dst(%dma_wait3A_54 : memref<640x128xf32, #tpu.memory_space<hbm>>)
      tpu.yield
    }) : () -> ()
    return
  }
}

module attributes {stable_mosaic.version = 14 : i64} {
  func.func @body(%arg0: i32, %arg1: memref<2000x128xf32, #tpu.memory_space<vmem>>, %arg2: memref<128x128xf32, #tpu.memory_space<vmem>>, %arg3: memref<2000x2xf32, #tpu.memory_space<vmem>>, %arg4: memref<2000x128xf32, #tpu.memory_space<vmem>>) attributes {dimension_semantics = [#tpu.dimension_semantics<arbitrary>], iteration_bounds = array<i64: 5>, scalar_prefetch = 0 : i64, scratch_operands = 0 : i64, tpu.core_type = #tpu.core_type<tc>, window_params = [{transform_indices = @transform_0, window_bounds = array<i64: 2000, 128>}, {pipeline_mode = #tpu.pipeline_mode<synchronous>, transform_indices = @transform_1, window_bounds = array<i64: 128, 128>}, {transform_indices = @transform_2, window_bounds = array<i64: 2000, 2>}, {transform_indices = @transform_3, window_bounds = array<i64: 2000, 128>}]} {
    %get3A = arith.constant 0 : index
    %get3A_0 = arith.constant 0 : index
    %get3A_1 = vector.load %arg3[%get3A, %get3A_0] : memref<2000x2xf32, #tpu.memory_space<vmem>>, vector<2000x2xf32>
    %slice3A = vector.extract_strided_slice %get3A_1 {offsets = [0, 0], sizes = [2000, 1], strides = [1, 1]} : vector<2000x2xf32> to vector<2000x1xf32>
    %squeeze3A = vector.shape_cast %slice3A : vector<2000x1xf32> to vector<2000xf32>
    %slice3A_2 = vector.extract_strided_slice %get3A_1 {offsets = [0, 1], sizes = [2000, 1], strides = [1, 1]} : vector<2000x2xf32> to vector<2000x1xf32>
    %squeeze3A_3 = vector.shape_cast %slice3A_2 : vector<2000x1xf32> to vector<2000xf32>
    %add3A = arith.addf %squeeze3A, %squeeze3A_3 : vector<2000xf32>
    %max3A = arith.constant 1.000000e+00 : f32
    %max3A_4 = vector.broadcast %max3A : f32 to vector<2000xf32>
    %max3A_5 = arith.maximumf %add3A, %max3A_4 : vector<2000xf32>
    %rsqrt3A = math.rsqrt %max3A_5 : vector<2000xf32>
    %get3A_6 = arith.constant 0 : index
    %get3A_7 = arith.constant 0 : index
    %get3A_8 = vector.load %arg1[%get3A_6, %get3A_7] : memref<2000x128xf32, #tpu.memory_space<vmem>>, vector<2000x128xf32>
    %get3A_9 = arith.constant 0 : index
    %get3A_10 = arith.constant 0 : index
    %get3A_11 = vector.load %arg2[%get3A_9, %get3A_10] : memref<128x128xf32, #tpu.memory_space<vmem>>, vector<128x128xf32>
    %dot_general3A = arith.constant dense<0.000000e+00> : vector<2000x128xf32>
    %dot_general3A_12 = tpu.matmul %get3A_8, %get3A_11, %dot_general3A {dimension_numbers = #tpu.dot_dimension_numbers<[1], [0], [0], [1], [0, 0, 1, 1], [], []>, precision = #tpu.contract_precision<fp32>, transpose_lhs_hint = false} : vector<2000x128xf32>, vector<128x128xf32>, vector<2000x128xf32> -> vector<2000x128xf32>
    %broadcast_in_dim3A = vector.shape_cast %rsqrt3A : vector<2000xf32> to vector<2000x1xf32>
    %mul3A = vector.broadcast %broadcast_in_dim3A : vector<2000x1xf32> to vector<2000x128xf32>
    %mul3A_13 = arith.mulf %dot_general3A_12, %mul3A : vector<2000x128xf32>
    %swap3A = arith.constant 0 : index
    %swap3A_14 = arith.constant 0 : index
    %swap3A_15 = vector.load %arg4[%swap3A, %swap3A_14] : memref<2000x128xf32, #tpu.memory_space<vmem>>, vector<2000x128xf32>
    tpu.vector_store %arg4[%swap3A, %swap3A_14], %mul3A_13 {strides = array<i32>} : memref<2000x128xf32, #tpu.memory_space<vmem>>, vector<2000x128xf32>,
    return
  }
  func.func @transform_0(%arg0: i32) -> (i32, i32) {
    %c0_i32 = arith.constant 0 : i32
    %c0_i32_0 = arith.constant 0 : i32
    return %arg0, %c0_i32 : i32, i32
  }
  func.func @transform_1(%arg0: i32) -> (i32, i32) {
    %c0_i32 = arith.constant 0 : i32
    %c0_i32_0 = arith.constant 0 : i32
    %c0_i32_1 = arith.constant 0 : i32
    return %c0_i32, %c0_i32_0 : i32, i32
  }
  func.func @transform_2(%arg0: i32) -> (i32, i32) {
    %c0_i32 = arith.constant 0 : i32
    %c0_i32_0 = arith.constant 0 : i32
    return %arg0, %c0_i32 : i32, i32
  }
  func.func @transform_3(%arg0: i32) -> (i32, i32) {
    %c0_i32 = arith.constant 0 : i32
    %c0_i32_0 = arith.constant 0 : i32
    return %arg0, %c0_i32 : i32, i32
  }
}

module attributes {stable_mosaic.version = 14 : i64} {
  func.func @body(%arg0: i32, %arg1: memref<2x2000x128xf32, #tpu.memory_space<vmem>>, %arg2: memref<2000x2xf32, #tpu.memory_space<vmem>>, %arg3: memref<2000x2xf32, #tpu.memory_space<vmem>>, %arg4: memref<1x128xf32, #tpu.memory_space<vmem>>, %arg5: memref<128x128xf32, #tpu.memory_space<vmem>>, %arg6: memref<2000x128xf32, #tpu.memory_space<vmem>>) attributes {dimension_semantics = [#tpu.dimension_semantics<arbitrary>], iteration_bounds = array<i64: 5>, scalar_prefetch = 0 : i64, scratch_operands = 0 : i64, tpu.core_type = #tpu.core_type<tc>, window_params = [{transform_indices = @transform_0, window_bounds = array<i64: 2, 2000, 128>}, {transform_indices = @transform_1, window_bounds = array<i64: 2000, 2>}, {transform_indices = @transform_2, window_bounds = array<i64: 2000, 2>}, {pipeline_mode = #tpu.pipeline_mode<synchronous>, transform_indices = @transform_3, window_bounds = array<i64: 1, 128>}, {pipeline_mode = #tpu.pipeline_mode<synchronous>, transform_indices = @transform_4, window_bounds = array<i64: 128, 128>}, {transform_indices = @transform_5, window_bounds = array<i64: 2000, 128>}]} {
    %get3A = arith.constant 0 : index
    %get3A_0 = arith.constant 0 : index
    %get3A_1 = vector.load %arg3[%get3A, %get3A_0] : memref<2000x2xf32, #tpu.memory_space<vmem>>, vector<2000x2xf32>
    %slice3A = vector.extract_strided_slice %get3A_1 {offsets = [0, 0], sizes = [2000, 1], strides = [1, 1]} : vector<2000x2xf32> to vector<2000x1xf32>
    %squeeze3A = vector.shape_cast %slice3A : vector<2000x1xf32> to vector<2000xf32>
    %slice3A_2 = vector.extract_strided_slice %get3A_1 {offsets = [0, 1], sizes = [2000, 1], strides = [1, 1]} : vector<2000x2xf32> to vector<2000x1xf32>
    %squeeze3A_3 = vector.shape_cast %slice3A_2 : vector<2000x1xf32> to vector<2000xf32>
    %add3A = arith.addf %squeeze3A, %squeeze3A_3 : vector<2000xf32>
    %max3A = arith.constant 1.000000e+00 : f32
    %max3A_4 = vector.broadcast %max3A : f32 to vector<2000xf32>
    %max3A_5 = arith.maximumf %add3A, %max3A_4 : vector<2000xf32>
    %rsqrt3A = math.rsqrt %max3A_5 : vector<2000xf32>
    %get3A_6 = arith.constant 0 : index
    %get3A_7 = arith.constant 0 : index
    %get3A_8 = vector.load %arg2[%get3A_6, %get3A_7] : memref<2000x2xf32, #tpu.memory_space<vmem>>, vector<2000x2xf32>
    %slice3A_9 = vector.extract_strided_slice %get3A_8 {offsets = [0, 0], sizes = [2000, 1], strides = [1, 1]} : vector<2000x2xf32> to vector<2000x1xf32>
    %squeeze3A_10 = vector.shape_cast %slice3A_9 : vector<2000x1xf32> to vector<2000xf32>
    %slice3A_11 = vector.extract_strided_slice %get3A_8 {offsets = [0, 1], sizes = [2000, 1], strides = [1, 1]} : vector<2000x2xf32> to vector<2000x1xf32>
    %squeeze3A_12 = vector.shape_cast %slice3A_11 : vector<2000x1xf32> to vector<2000xf32>
    %add3A_13 = arith.addf %squeeze3A_10, %squeeze3A_12 : vector<2000xf32>
    %max3A_14 = arith.constant 1.000000e+00 : f32
    %max3A_15 = vector.broadcast %max3A_14 : f32 to vector<2000xf32>
    %max3A_16 = arith.maximumf %add3A_13, %max3A_15 : vector<2000xf32>
    %rsqrt3A_17 = math.rsqrt %max3A_16 : vector<2000xf32>
    %get3A_18 = arith.constant 0 : index
    %get3A_19 = arith.constant 0 : index
    %get3A_20 = arith.constant 0 : index
    %get3A_21 = vector.load %arg1[%get3A_18, %get3A_19, %get3A_20] : memref<2x2000x128xf32, #tpu.memory_space<vmem>>, vector<1x2000x128xf32>
    %get3A_22 = vector.shape_cast %get3A_21 : vector<1x2000x128xf32> to vector<2000x128xf32>
    %get3A_23 = arith.constant 1 : index
    %get3A_24 = arith.constant 0 : index
    %get3A_25 = arith.constant 0 : index
    %get3A_26 = vector.load %arg1[%get3A_23, %get3A_24, %get3A_25] : memref<2x2000x128xf32, #tpu.memory_space<vmem>>, vector<1x2000x128xf32>
    %get3A_27 = vector.shape_cast %get3A_26 : vector<1x2000x128xf32> to vector<2000x128xf32>
    %add3A_28 = arith.addf %get3A_22, %get3A_27 : vector<2000x128xf32>
    %broadcast_in_dim3A = vector.shape_cast %rsqrt3A : vector<2000xf32> to vector<2000x1xf32>
    %mul3A = vector.broadcast %broadcast_in_dim3A : vector<2000x1xf32> to vector<2000x128xf32>
    %mul3A_29 = arith.mulf %add3A_28, %mul3A : vector<2000x128xf32>
    %get3A_30 = arith.constant 0 : index
    %get3A_31 = arith.constant 0 : index
    %get3A_32 = vector.load %arg4[%get3A_30, %get3A_31] : memref<1x128xf32, #tpu.memory_space<vmem>>, vector<1x128xf32>
    %add3A_33 = vector.broadcast %get3A_32 : vector<1x128xf32> to vector<2000x128xf32>
    %add3A_34 = arith.addf %mul3A_29, %add3A_33 : vector<2000x128xf32>
    %max3A_35 = arith.constant 0.000000e+00 : f32
    %max3A_36 = vector.broadcast %max3A_35 : f32 to vector<2000x128xf32>
    %max3A_37 = arith.maximumf %add3A_34, %max3A_36 : vector<2000x128xf32>
    %broadcast_in_dim3A_38 = vector.shape_cast %rsqrt3A_17 : vector<2000xf32> to vector<2000x1xf32>
    %mul3A_39 = vector.broadcast %broadcast_in_dim3A_38 : vector<2000x1xf32> to vector<2000x128xf32>
    %mul3A_40 = arith.mulf %max3A_37, %mul3A_39 : vector<2000x128xf32>
    %get3A_41 = arith.constant 0 : index
    %get3A_42 = arith.constant 0 : index
    %get3A_43 = vector.load %arg5[%get3A_41, %get3A_42] : memref<128x128xf32, #tpu.memory_space<vmem>>, vector<128x128xf32>
    %dot_general3A = arith.constant dense<0.000000e+00> : vector<2000x128xf32>
    %dot_general3A_44 = tpu.matmul %mul3A_40, %get3A_43, %dot_general3A {dimension_numbers = #tpu.dot_dimension_numbers<[1], [0], [0], [1], [0, 0, 1, 1], [], []>, precision = #tpu.contract_precision<fp32>, transpose_lhs_hint = false} : vector<2000x128xf32>, vector<128x128xf32>, vector<2000x128xf32> -> vector<2000x128xf32>
    %swap3A = arith.constant 0 : index
    %swap3A_45 = arith.constant 0 : index
    %swap3A_46 = vector.load %arg6[%swap3A, %swap3A_45] : memref<2000x128xf32, #tpu.memory_space<vmem>>, vector<2000x128xf32>
    tpu.vector_store %arg6[%swap3A, %swap3A_45], %dot_general3A_44 {strides = array<i32>} : memref<2000x128xf32, #tpu.memory_space<vmem>>, vector<2000x128xf32>,
    return
  }
  func.func @transform_0(%arg0: i32) -> (i32, i32, i32) {
    %c0_i32 = arith.constant 0 : i32
    %c0_i32_0 = arith.constant 0 : i32
    %c0_i32_1 = arith.constant 0 : i32
    return %c0_i32, %arg0, %c0_i32_0 : i32, i32, i32
  }
  func.func @transform_1(%arg0: i32) -> (i32, i32) {
    %c0_i32 = arith.constant 0 : i32
    %c0_i32_0 = arith.constant 0 : i32
    return %arg0, %c0_i32 : i32, i32
  }
  func.func @transform_2(%arg0: i32) -> (i32, i32) {
    %c0_i32 = arith.constant 0 : i32
    %c0_i32_0 = arith.constant 0 : i32
    return %arg0, %c0_i32 : i32, i32
  }
  func.func @transform_3(%arg0: i32) -> (i32, i32) {
    %c0_i32 = arith.constant 0 : i32
    %c0_i32_0 = arith.constant 0 : i32
    %c0_i32_1 = arith.constant 0 : i32
    return %c0_i32, %c0_i32_0 : i32, i32
  }
  func.func @transform_4(%arg0: i32) -> (i32, i32) {
    %c0_i32 = arith.constant 0 : i32
    %c0_i32_0 = arith.constant 0 : i32
    %c0_i32_1 = arith.constant 0 : i32
    return %c0_i32, %c0_i32_0 : i32, i32
  }
  func.func @transform_5(%arg0: i32) -> (i32, i32) {
    %c0_i32 = arith.constant 0 : i32
    %c0_i32_0 = arith.constant 0 : i32
    return %arg0, %c0_i32 : i32, i32
  }
}

module attributes {stable_mosaic.version = 14 : i64} {
  func.func @body(%arg0: i32, %arg1: memref<2x2000x128xf32, #tpu.memory_space<vmem>>, %arg2: memref<2000x2xf32, #tpu.memory_space<vmem>>, %arg3: memref<1x128xf32, #tpu.memory_space<vmem>>, %arg4: memref<2000x128xf32, #tpu.memory_space<vmem>>) attributes {dimension_semantics = [#tpu.dimension_semantics<arbitrary>], iteration_bounds = array<i64: 5>, scalar_prefetch = 0 : i64, scratch_operands = 0 : i64, tpu.core_type = #tpu.core_type<tc>, window_params = [{transform_indices = @transform_0, window_bounds = array<i64: 2, 2000, 128>}, {transform_indices = @transform_1, window_bounds = array<i64: 2000, 2>}, {pipeline_mode = #tpu.pipeline_mode<synchronous>, transform_indices = @transform_2, window_bounds = array<i64: 1, 128>}, {transform_indices = @transform_3, window_bounds = array<i64: 2000, 128>}]} {
    %get3A = arith.constant 0 : index
    %get3A_0 = arith.constant 0 : index
    %get3A_1 = vector.load %arg2[%get3A, %get3A_0] : memref<2000x2xf32, #tpu.memory_space<vmem>>, vector<2000x2xf32>
    %slice3A = vector.extract_strided_slice %get3A_1 {offsets = [0, 0], sizes = [2000, 1], strides = [1, 1]} : vector<2000x2xf32> to vector<2000x1xf32>
    %squeeze3A = vector.shape_cast %slice3A : vector<2000x1xf32> to vector<2000xf32>
    %slice3A_2 = vector.extract_strided_slice %get3A_1 {offsets = [0, 1], sizes = [2000, 1], strides = [1, 1]} : vector<2000x2xf32> to vector<2000x1xf32>
    %squeeze3A_3 = vector.shape_cast %slice3A_2 : vector<2000x1xf32> to vector<2000xf32>
    %add3A = arith.addf %squeeze3A, %squeeze3A_3 : vector<2000xf32>
    %max3A = arith.constant 1.000000e+00 : f32
    %max3A_4 = vector.broadcast %max3A : f32 to vector<2000xf32>
    %max3A_5 = arith.maximumf %add3A, %max3A_4 : vector<2000xf32>
    %rsqrt3A = math.rsqrt %max3A_5 : vector<2000xf32>
    %get3A_6 = arith.constant 0 : index
    %get3A_7 = arith.constant 0 : index
    %get3A_8 = arith.constant 0 : index
    %get3A_9 = vector.load %arg1[%get3A_6, %get3A_7, %get3A_8] : memref<2x2000x128xf32, #tpu.memory_space<vmem>>, vector<1x2000x128xf32>
    %get3A_10 = vector.shape_cast %get3A_9 : vector<1x2000x128xf32> to vector<2000x128xf32>
    %get3A_11 = arith.constant 1 : index
    %get3A_12 = arith.constant 0 : index
    %get3A_13 = arith.constant 0 : index
    %get3A_14 = vector.load %arg1[%get3A_11, %get3A_12, %get3A_13] : memref<2x2000x128xf32, #tpu.memory_space<vmem>>, vector<1x2000x128xf32>
    %get3A_15 = vector.shape_cast %get3A_14 : vector<1x2000x128xf32> to vector<2000x128xf32>
    %add3A_16 = arith.addf %get3A_10, %get3A_15 : vector<2000x128xf32>
    %broadcast_in_dim3A = vector.shape_cast %rsqrt3A : vector<2000xf32> to vector<2000x1xf32>
    %mul3A = vector.broadcast %broadcast_in_dim3A : vector<2000x1xf32> to vector<2000x128xf32>
    %mul3A_17 = arith.mulf %add3A_16, %mul3A : vector<2000x128xf32>
    %get3A_18 = arith.constant 0 : index
    %get3A_19 = arith.constant 0 : index
    %get3A_20 = vector.load %arg3[%get3A_18, %get3A_19] : memref<1x128xf32, #tpu.memory_space<vmem>>, vector<1x128xf32>
    %add3A_21 = vector.broadcast %get3A_20 : vector<1x128xf32> to vector<2000x128xf32>
    %add3A_22 = arith.addf %mul3A_17, %add3A_21 : vector<2000x128xf32>
    %swap3A = arith.constant 0 : index
    %swap3A_23 = arith.constant 0 : index
    %swap3A_24 = vector.load %arg4[%swap3A, %swap3A_23] : memref<2000x128xf32, #tpu.memory_space<vmem>>, vector<2000x128xf32>
    tpu.vector_store %arg4[%swap3A, %swap3A_23], %add3A_22 {strides = array<i32>} : memref<2000x128xf32, #tpu.memory_space<vmem>>, vector<2000x128xf32>,
    return
  }
  func.func @transform_0(%arg0: i32) -> (i32, i32, i32) {
    %c0_i32 = arith.constant 0 : i32
    %c0_i32_0 = arith.constant 0 : i32
    %c0_i32_1 = arith.constant 0 : i32
    return %c0_i32, %arg0, %c0_i32_0 : i32, i32, i32
  }
  func.func @transform_1(%arg0: i32) -> (i32, i32) {
    %c0_i32 = arith.constant 0 : i32
    %c0_i32_0 = arith.constant 0 : i32
    return %arg0, %c0_i32 : i32, i32
  }
  func.func @transform_2(%arg0: i32) -> (i32, i32) {
    %c0_i32 = arith.constant 0 : i32
    %c0_i32_0 = arith.constant 0 : i32
    %c0_i32_1 = arith.constant 0 : i32
    return %c0_i32, %c0_i32_0 : i32, i32
  }
  func.func @transform_3(%arg0: i32) -> (i32, i32) {
    %c0_i32 = arith.constant 0 : i32
    %c0_i32_0 = arith.constant 0 : i32
    return %arg0, %c0_i32 : i32, i32
  }
}

</mosaic_0001>

<sc_bundles>
// kernel: kernel.11.cloned.1.call-start
scs
__scs_entry_jumppad:
0x0: {  	(pc) =	sbr.rel $0x88, $3  }
0x1: {  	(tag) =	ssettag $0x0;
	lr =	simm.s32 $0x1  }
0x2: {  	[smem:$0x3F9B] =	sst lr;
	_ =	strace $0xD0000000  }
0x3: {  	_ = 	snop  }
0x4: {  	_ = 	snop  }
0x5: {  	_ = 	snop  }
0x6: {  	_ = 	snop  }
0x7: {  	_ = 	snop  }
__scs_overlays_trampoline_lowered:
0x8: {  	[smem:$0x3FAA] =	sst s0  }
0x9: {  	[smem:$0x3FAB] =	sst s1  }
0xa: {  	[smem:$0x3FAC] =	sst s2  }
0xb: {  	[smem:$0x3FAD] =	sst s3  }
0xc: {  	[smem:$0x3FAE] =	sst s4  }
0xd: {  	[smem:$0x3FAF] =	sst s5  }
0xe: {  	[smem:$0x3FB0] =	sst s6  }
0xf: {  	[smem:$0x3FB1] =	sst s7  }
0x10: {  	[smem:$0x3FB2] =	sst s8  }
0x11: {  	[smem:$0x3FB3] =	sst s9;
	s0 =	simm.s32 @!p0 $0x0  }
0x12: {  	s1 =	sld [smem:$0x3F99];
	s0 =	simm.s32 @p0 $0x1  }
0x13: {  	[smem:$0x3FB4] =	sst s0;
	s0 =	simm.s32 @!p1 $0x0  }
0x14: {  	s2 =	sld [smem:$0x3F98];
	s0 =	simm.s32 @p1 $0x1  }
0x15: {  	[smem:$0x3FB5] =	sst s0;
	s0 =	simm.s32 @!p2 $0x0  }
0x16: {  	s3 =	sld [smem:$0x3FDB];
	s0 =	simm.s32 @p2 $0x1  }
0x17: {  	s4 =	simm.s32 $0x1BF5;
	[smem:$0x3FB7] =	sst s0  }
0x18: {  	s0 =	sld [smem:$0x3F9A];
	_ =	swait.ge [sflag:s4], $0x0  }
0x19: {  	s7 =	sld [smem:$0x3F9B]  }
0x1a: {  	s8 =	sadd.s32 $0xFFFFE003, lr  }
0x1b: {  	s9 =	sadd.s32 $0xFFFFFEF7, lr;
	s5 =	simm.s32 $0xFFFFFFFF;
	p2 =	slt.u32 s8, $0xFFFFF086  }
0x1c: {  	p1 =	slt.u32 s9, $0xF7A;
	s5 =	simm.s32 @!p2 $0x0  }
0x1d: {  	s5 =	simm.s32 @p1 $0x1;
	p0 =	seq.s32 s7, s2  }
0x1e: {  	s7 =	smul.u32 @!p0 $0xF7A, s2;
	p2 =	seq.s32 @!p0 s5, $0x0  }
0x1f: {  	s9 =	smul.u32 $0xF7A, s1;
	s8 =	simm.s32 @!p0 $0x1BF5;
	p2 =	por !p2, p0  }
0x20: {  	[sflag:s8] =	ssyncset.s32 @!p0 $0xFFFFF086;
	s6 =	sadd.s32 @!p0 s3, s7;
	s7 =	simm.s32 @!p0 $0x108  }
0x21: {  	s3 =	sadd.s32 s3, s9;
	s6 =	sadd.s32 @!p0 $0x88, s6;
	s7 =	simm.s32 @p2 $0x1082  }
0x22: {  	[simem:s7], [sflag:s8] =	dma.local @!p0 [hbm:s6], $0xF7A  }
0x23: {  	s9 =	sor.u32 $0xD0000000, s2;
	s6 =	simm.s32 $0x108;
	_ =	swait.ge @!p0 [sflag:s8], $0x0  }
0x24: {  	s3 =	sadd.s32 $0x88, s3;
	s6 =	simm.s32 @!p1 $0x1082;
	[sflag:s4] =	ssyncset.s32 $0xFFFFF086  }
0x25: {  	[simem:s6], [sflag:s4] =	dma.local [hbm:s3], $0xF7A  }
0x26: {  	[smem:$0x3F9B] =	sst s1;
	(tag) =	ssettag s2;
	_ =	strace s9  }
0x27: {  	s1 =	sld [smem:$0x3FAB]  }
0x28: {  	s2 =	sld [smem:$0x3FAC]  }
0x29: {  	s4 =	sld [smem:$0x3FAE]  }
0x2a: {  	p0 =	seq.s32 s5, $0x0;
	s5 =	sld [smem:$0x3FAF]  }
0x2b: {  	s6 =	sld [smem:$0x3FB0]  }
0x2c: {  	s7 =	sld [smem:$0x3FB1]  }
0x2d: {  	s3 =	simm.s32 $0x108;
	s8 =	sld [smem:$0x3FB2]  }
0x2e: {  	s3 =	simm.s32 @!p0 $0x1082;
	s9 =	sld [smem:$0x3FB3]  }
0x2f: {  	lr =	sadd.s32 s0, s3;
	s0 =	sld [smem:$0x3FAA]  }
0x30: {  	s3 =	sld [smem:$0x3FAD]  }
0x31: {  	[smem:$0x3FB6] =	sst s10  }
0x32: {  	s10 =	sld [smem:$0x3FB4];
	_ =	sdelay $0x3  }
0x33: {  	p0 =	seq.s32 s10, $0x1;
	s10 =	sld [smem:$0x3FB6];
	_ =	sdelay $0x3  }
0x34: {  	[smem:$0x3FB6] =	sst s10  }
0x35: {  	s10 =	sld [smem:$0x3FB5];
	_ =	sdelay $0x3  }
0x36: {  	p1 =	seq.s32 s10, $0x1;
	s10 =	sld [smem:$0x3FB6];
	_ =	sdelay $0x3  }
0x37: {  	[smem:$0x3FB6] =	sst s10  }
0x38: {  	s10 =	sld [smem:$0x3FB7]  }
0x39: {  	_ = 	snop;
	(pc) =	sbr.ind lr, $3  }
0x3a: {  	_ = 	snop  }
0x3b: {  	_ = 	snop  }
0x3c: {  	p2 =	seq.s32 s10, $0x1;
	s10 =	sld [smem:$0x3FB6]  }
0x3d: {  	_ =	shalt  }
0x3e: {  	_ =	shalt  }
0x3f: {  	_ =	shalt  }
0x40: {  	_ =	shalt  }
0x41: {  	_ =	shalt  }
0x42: {  	_ =	shalt  }
0x43: {  	_ =	shalt  }
0x44: {  	_ =	shalt  }
0x45: {  	_ =	shalt  }
0x46: {  	_ =	shalt  }
0x47: {  	_ =	shalt  }
0x48: {  	_ =	shalt  }
0x49: {  	_ =	shalt  }
0x4a: {  	_ =	shalt  }
0x4b: {  	_ =	shalt  }
0x4c: {  	_ =	shalt  }
0x4d: {  	_ =	shalt  }
0x4e: {  	_ =	shalt  }
0x4f: {  	_ =	shalt  }
0x50: {  	_ =	shalt  }
0x51: {  	_ =	shalt  }
0x52: {  	_ =	shalt  }
0x53: {  	_ =	shalt  }
0x54: {  	_ =	shalt  }
0x55: {  	_ =	shalt  }
0x56: {  	_ =	shalt  }
0x57: {  	_ =	shalt  }
0x58: {  	_ =	shalt  }
0x59: {  	_ =	shalt  }
0x5a: {  	_ =	shalt  }
0x5b: {  	_ =	shalt  }
0x5c: {  	_ =	shalt  }
0x5d: {  	_ =	shalt  }
0x5e: {  	_ =	shalt  }
0x5f: {  	_ =	shalt  }
0x60: {  	_ =	shalt  }
0x61: {  	_ =	shalt  }
0x62: {  	_ =	shalt  }
0x63: {  	_ =	shalt  }
0x64: {  	_ =	shalt  }
0x65: {  	_ =	shalt  }
0x66: {  	_ =	shalt  }
0x67: {  	_ =	shalt  }
0x68: {  	_ =	shalt  }
0x69: {  	_ =	shalt  }
0x6a: {  	_ =	shalt  }
0x6b: {  	_ =	shalt  }
0x6c: {  	_ =	shalt  }
0x6d: {  	_ =	shalt  }
0x6e: {  	_ =	shalt  }
0x6f: {  	_ =	shalt  }
0x70: {  	_ =	shalt  }
0x71: {  	_ =	shalt  }
0x72: {  	_ =	shalt  }
0x73: {  	_ =	shalt  }
0x74: {  	_ =	shalt  }
0x75: {  	_ =	shalt  }
0x76: {  	_ =	shalt  }
0x77: {  	_ =	shalt  }
0x78: {  	_ =	shalt  }
0x79: {  	_ =	shalt  }
0x7a: {  	_ =	shalt  }
0x7b: {  	_ =	shalt  }
0x7c: {  	_ =	shalt  }
0x7d: {  	_ =	shalt  }
0x7e: {  	_ =	shalt  }
0x7f: {  	_ =	shalt  }
0x80: {  	_ =	shalt  }
0x81: {  	_ =	shalt  }
0x82: {  	_ =	shalt  }
0x83: {  	_ =	shalt  }
0x84: {  	_ =	shalt  }
0x85: {  	_ =	shalt  }
0x86: {  	_ =	shalt  }
0x87: {  	_ =	shalt  }
.Lfunc_end0:
.L_simem_size_0:
called_computation.1_lowered:
.L_overlay_start_0:
0x88: {  	s2 =	sld [smem:$0x3FD9]  }
0x89: {  	s3 =	sld [smem:$0x3FFE];
	_ =	sdelay $0x1  }
0x8a: {  	s1 =	srdreg.scid  }
0x8b: {  	s0 =	sand.u32 $0x1, s1  }
0x8c: {  	s17 =	sshll.u32 s0, $0xA;
	s2 =	sadd.s32 s3, s2  }
0x8d: {  	s2 =	sadd.s32 s2, s17  }
0x8e: {  	[smem:$0x3FC2] =	sst s2  }
0x8f: {  	_ = 	snop  }
0x90: {  	s2 =	sld [smem:$0x3FD0];
	(tm) =	ssettm $0x1  }
0x91: {  	s18 =	sld [smem:$0x3FFB];
	_ =	sdelay $0x3  }
0x92: {  	_ =	strace s18  }
0x93: {  	s3 =	sld [smem:$0x3FFC];
	_ =	sdelay $0x3  }
0x94: {  	_ =	strace s3  }
0x95: {  	s3 =	sld [smem:$0x3FFD];
	_ =	sdelay $0x3  }
0x96: {  	_ =	strace s3  }
0x97: {  	_ =	strace $0x8FFFFFFF  }
0x98: {  	s19 =	sld [smem:$0x3FDB];
	_ =	sdelay $0x1  }
0x99: {  	s4 =	simm.s32 $_scs_section_size  }
0x9a: {  	s5 =	simm.s32 $_size__tile_overlayer_lowered;
	s6 =	simm.s32 $_tile_overlayer_lowered  }
0x9b: {  	s22 =	simm.s32 $0x1BFF;
	s21 =	sshll.u32 s6, $0x1;
	s3 =	sadd.s32 s4, s19  }
0x9c: {  	s7 =	simm.s32 $0x0;
	s20 =	sshll.u32 s5, $0x1;
	s5 =	sadd.s32 s21, s3  }
0x9d: {  	[timem:s7], [sflag:s22] =	dma.local [hbm:s5], s20  }
0x9e: {  	_ =	swait.ge [sflag:s22], s20  }
0x9f: {  	s4 =	ssub.s32 $0x0, s20;
	[sflag:s22] =	ssyncset.done $0x0  }
0xa0: {  	[sflag:s22] =	ssyncadd.s32 s4;
	_ =	sdelay $0x1  }
0xa1: {  	s23 =	simm.s32 $0x1B8B  }
0xa2: {  	_ =	swait.ge [sflag:s23], $0x1  }
0xa3: {  	[sflag:s23] =	ssyncset.done $0x0  }
0xa4: {  	s25 =	simm.s32 $0x1B8E;
	s24 =	sld [smem:$0x3FFE];
	[sflag:s23] =	ssyncadd.s32 $0xFFFFFFFF  }
0xa5: {  	s26 =	simm.s32 $execute0_lowered;
	[smem:$0x3FD2] =	sst s25  }
0xa6: {  	s5 =	sshll.u32 s26, $0x1;
	_ =	strace $0x80000049;
	[dreg:$0x1] =	wrdreg $0xFFFFFFFF  }
0xa7: {  	s28 =	simm.s32 $_size_execute0_lowered;
	s3 =	sadd.s32 s3, s5;
	[dreg:$0x0] =	wrdreg $0x0  }
0xa8: {  	s5 =	sshll.u32 s28, $0x1;
	[dreg:$0x2] =	wrdreg s3  }
0xa9: {  	[dreg:$0x3] =	wrdreg s5  }
0xaa: {  	[dreg:$0x4] =	wrdreg $0xC0  }
0xab: {  	_ =	task [dreg:s7], $0x5FFFF  }
0xac: {  	[dreg:$0x1] =	wrdreg $0xFFFFFFFF  }
0xad: {  	[dreg:$0x0] =	wrdreg $0x60  }
0xae: {  	[dreg:$0x2] =	wrdreg s24  }
0xaf: {  	[dreg:$0x3] =	wrdreg s2  }
0xb0: {  	[dreg:$0x4] =	wrdreg $0xA8000  }
0xb1: {  	[dreg:$0x5] =	wrdreg $0x9  }
0xb2: {  	_ =	task.clear_ibuf [dreg:s7], $0x6FFFF;
	_ =	strace $0x90000049  }
0xb3: {  	s29 =	simm.s32 $0x9;
	_ =	strace $0x8000004B  }
0xb4: {  	_ =	swait.ge [sflag:s29], $0x1  }
0xb5: {  	[sflag:s29] =	ssyncadd.s32 $0xFFFFFFFF  }
0xb6: {  	_ =	strace $0x9000004B  }
0xb7: {  	_ =	sfence  }
0xb8: {  	s30 =	sld [smem:$0x0];
	_ =	sdelay $0x2  }
0xb9: {  	s31 =	sshll.u32 s1, $0xD;
	s1 =	sshrl.u32 s1, $0x2  }
0xba: {  	s3 =	sand.u32 $0x4000, s31;
	s1 =	sadd.s32 s1, s30  }
0xbb: {  	s0 =	sor.u32 s3, s0;
	s1 =	sshll.u32 s1, $0x11  }
0xbc: {  	s0 =	sor.u32 s1, s0  }
0xbd: {  	s0 =	sadd.s32 $0x8F2B, s0  }
0xbe: {  	[sflag:s0] =	ssyncadd.remote.s32 $0x1  }
0xbf: {  	_ =	sfence.sel $0xFFFF  }
0xc0: {  	[dreg:$0x0] =	wrdreg $0xFFFFFFFF;
	(pc) =	sbr.abs _section_cstart, $3  }
0xc1: {  	[dreg:$0x1] =	wrdreg $0xFFFFFFFF  }
0xc2: {  	_ =	task.clear_ibuf [dreg:s7], $0x2FFFF;
	_ =	strace $0x9FFFFFFF  }
0xc3: {  	(tm) =	ssettm $0x7FFFFFFF  }
tec
execute0_lowered:
.L_overlay_start_1:
0x0: {  	(tag) =	ssettag $0x1  }
0x1: {  	s5 =	rddreg [dreg:$0x0]  }
0x2: {  	s6 =	rddreg [dreg:$0x1]  }
0x3: {  	s2 =	rddreg [dreg:$0x2];
	s3 =	srdreg.scid  }
0x4: {  	s0 =	rddreg [dreg:$0x3];
	s1 =	stileid.u32;
	s17 =	simm.s32 $0x2  }
0x5: {  	s18 =	simm.s32 $0x3400;
	s19 =	simm.s32 $0x6800;
	s20 =	simm.s32 $0x80  }
0x6: {  	s21 =	simm.s32 $0x1;
	s22 =	simm.s32 $0x0;
	s4 =	smul.u32 $0x5000, s1  }
0x7: {  	s7 =	sand.u32 $0x1, s3;
	s3 =	simm.s32 $0x0;
	s10 =	smul.u32 $0x14000, s1  }
0x8: {  	s12 =	smul.u32 $0x50000, s1;
	s11 =	ssub.s32 $0x0, s7;
	[smem:$0x7FF] =	sst s3  }
0x9: {  	s9 =	smul.u32 $0x140000, s7;
	s7 =	ssub.s32 $0x2, s7;
	s8 =	sand.u32 $0x1C00, s11  }
0xa: {  	_ =	strace $0x8000004A;
	s31 =	sshrl.u32 s7, $0x1;
	s12 =	sshrl.u32 s12, $0x2  }
0xb: {  	s16 =	sand.u32 $0x30, s11;
	s8 =	sadd.s32 s4, s8;
	s9 =	sadd.s32 s10, s9  }
0xc: {  	s4 =	sadd.s32 $0xB600, s5;
	s8 =	sshrl.u32 s8, $0x3;
	s9 =	sshrl.u32 s9, $0x3  }
0xd: {  	s15 =	ssub.s32 s7, s31;
	s13 =	sadd.s32 s8, s5;
	s14 =	sadd.s32 s9, s5  }
0xe: {  	s5 =	sadd.s32 s12, s2;
	s6 =	sadd.s32 s6, s8;
	s7 =	sadd.s32 $0x1600, s13  }
0xf: {  	s8 =	sadd.s32 $0x4000, s5;
	s9 =	sadd.s32 $0x8000, s5;
	s10 =	sadd.s32 $0xC000, s5  }
0x10: {  	s11 =	sadd.s32 $0x10000, s5;
	s12 =	sadd.s32 $0x32800, s14;
	s13 =	sshll.u32 s16, $0x7  }
0x11: {  	v0 =	vimm.f32 $0.0e+00;
	s14 =	smax.u32 s15, $0x1;
	s15 =	ssub.s32 $0x68, s16;
	s16 =	sadd.s32 $0x3400, s13  }
.LBB2_1:
0x12: {  	[tilespmem:s3], [sflag:$0x2] =	stream.linear.gather [hbm4b:s6+s3], $0x3400, $0x38;
	[tilespmem:$0x1E800] =	vst v63  }
0x13: {  	_ =	swait.ge [sflag:s17], $0x3400  }
0x14: {  	[sflag:s17] =	ssyncset.done $0x0  }
0x15: {  	[sflag:s17] =	ssyncadd.s32 $0xFFFFCC00  }
0x16: {  	[tilespmem:s18], [sflag:$0x2] =	stream.linear.gather [hbm4b:s7+s3], $0x3400, $0x38;
	[tilespmem:$0x1E800] =	vst v63  }
0x17: {  	_ =	swait.ge [sflag:s17], $0x3400  }
0x18: {  	[sflag:s17] =	ssyncset.done $0x0  }
0x19: {  	s23 =	simm.s32 $0x0;
	s24 =	simm.s32 $0x200;
	[sflag:s17] =	ssyncadd.s32 $0xFFFFCC00  }
.LBB2_2:
0x1a: {  	p0 =	sne.s32 s24, $0xFE00;
	[tilespmem:s23+$0x6870] =	vst v0  }
0x1b: {  	[tilespmem:s23+$0x6800] =	vst v0  }
0x1c: {  	[tilespmem:s23+$0x6810] =	vst v0  }
.Ltmp0:
0x1d: {  	[tilespmem:s23+$0x6820] =	vst v0;
	(pc) =	sbr.rel @p0 .LBB2_2-.Ltmp0, $4  }
0x1e: {  	[tilespmem:s23+$0x6830] =	vst v0  }
0x1f: {  	[tilespmem:s23+$0x6840] =	vst v0  }
0x20: {  	[tilespmem:s23+$0x6850] =	vst v0  }
0x21: {  	[tilespmem:s23+$0x6860] =	vst v0;
	s23 =	sshra.s32 s24, $0x2;
	s24 =	sadd.s32 $0x200, s24  }
0x22: {  	[tilespmem:s23+$0x6870] =	vst v0  }
0x23: {  	[tilespmem:s23+$0x6800] =	vst v0  }
0x24: {  	[tilespmem:s23+$0x6810] =	vst v0  }
0x25: {  	[tilespmem:s23+$0x6820] =	vst v0  }
0x26: {  	[tilespmem:s23+$0x6830] =	vst v0  }
0x27: {  	[tilespmem:s23+$0x6840] =	vst v0  }
0x28: {  	[tilespmem:s23+$0x6850] =	vst v0  }
0x29: {  	[tilespmem:s23+$0x6860] =	vst v0  }
0x2a: {  	[spmem:s5] =	stream.linear.scatter [tilespmem:s19], [sflag:$0x2], $0x4000, $0x38;
	[tilespmem:$0x1E800] =	vst v63  }
0x2b: {  	_ =	swait.ge [sflag:s17], $0x4000  }
0x2c: {  	[sflag:s17] =	ssyncset.done $0x0  }
0x2d: {  	[sflag:s17] =	ssyncadd.s32 $0xFFFFC000  }
0x2e: {  	[spmem:s8] =	stream.linear.scatter [tilespmem:s19], [sflag:$0x2], $0x4000, $0x38;
	[tilespmem:$0x1E800] =	vst v63  }
0x2f: {  	_ =	swait.ge [sflag:s17], $0x4000  }
0x30: {  	[sflag:s17] =	ssyncset.done $0x0  }
0x31: {  	[sflag:s17] =	ssyncadd.s32 $0xFFFFC000  }
0x32: {  	[spmem:s9] =	stream.linear.scatter [tilespmem:s19], [sflag:$0x2], $0x4000, $0x38;
	[tilespmem:$0x1E800] =	vst v63  }
0x33: {  	_ =	swait.ge [sflag:s17], $0x4000  }
0x34: {  	[sflag:s17] =	ssyncset.done $0x0  }
0x35: {  	[sflag:s17] =	ssyncadd.s32 $0xFFFFC000  }
0x36: {  	[spmem:s10] =	stream.linear.scatter [tilespmem:s19], [sflag:$0x2], $0x4000, $0x38;
	[tilespmem:$0x1E800] =	vst v63  }
0x37: {  	_ =	swait.ge [sflag:s17], $0x4000  }
0x38: {  	[sflag:s17] =	ssyncset.done $0x0  }
0x39: {  	[sflag:s17] =	ssyncadd.s32 $0xFFFFC000  }
0x3a: {  	[spmem:s11] =	stream.linear.scatter [tilespmem:s19], [sflag:$0x2], $0x4000, $0x38;
	[tilespmem:$0x1E800] =	vst v63  }
0x3b: {  	_ =	swait.ge [sflag:s17], $0x4000  }
0x3c: {  	[sflag:s17] =	ssyncset.done $0x0  }
0x3d: {  	[sflag:s17] =	ssyncadd.s32 $0xFFFFC000  }
0x3e: {  	[bflag:$0x0] =	sbarrier.arrive $0xFFFF  }
0x3f: {  	[tilespmem:s19], [sflag:$0x1] =	stream.indirect.gather [hbm4b:s4+s20], $0x80, s13, s20, $0xb8;
	[tilespmem:$0x1E800] =	vst v63  }
0x40: {  	p0 =	sne.s32 s15, $0x1;
	_ =	swait.ge [sflag:s21], $0x4000  }
.Ltmp1:
0x41: {  	[sflag:s21] =	ssyncset.done $0x0;
	(pc) =	sbr.rel @!p0 .LBB2_5-.Ltmp1, $4  }
0x42: {  	[sflag:s21] =	ssyncadd.s32 $0xFFFFC000  }
0x43: {  	[spmem:s2] =	stream.indirect.scatter.add.f32 [tilespmem:s19], [sflag:$0x2], $0x80, s16, s20, $0xb8;
	[tilespmem:$0x1E800] =	vst v63  }
0x44: {  	s23 =	sadd.s32 $0xFFFFFFFF, s15;
	_ =	swait.ge [sflag:s17], $0x4000  }
0x45: {  	s24 =	smov.u32 s13;
	s25 =	smov.u32 s16;
	[sflag:s17] =	ssyncset.done $0x0  }
.LBB2_4:
0x46: {  	[sflag:s17] =	ssyncadd.s32 $0xFFFFC000;
	s24 =	sadd.s32 $0x80, s24;
	s25 =	sadd.s32 $0x80, s25  }
0x47: {  	[tilespmem:s19], [sflag:$0x1] =	stream.indirect.gather [hbm4b:s4+s20], $0x80, s24, s20, $0xb8;
	[tilespmem:$0x1E800] =	vst v63  }
0x48: {  	p0 =	sne.s32 s23, $0x1;
	s23 =	sadd.s32 $0xFFFFFFFF, s23;
	_ =	swait.ge [sflag:s21], $0x4000  }
.Ltmp2:
0x49: {  	[sflag:s21] =	ssyncset.done $0x0;
	(pc) =	sbr.rel @p0 .LBB2_4-.Ltmp2, $4  }
0x4a: {  	[sflag:s21] =	ssyncadd.s32 $0xFFFFC000  }
0x4b: {  	[spmem:s2] =	stream.indirect.scatter.add.f32 [tilespmem:s19], [sflag:$0x2], $0x80, s25, s20, $0xb8;
	[tilespmem:$0x1E800] =	vst v63  }
0x4c: {  	_ =	swait.ge [sflag:s17], $0x4000  }
0x4d: {  	[sflag:s17] =	ssyncset.done $0x0  }
.LBB2_5:
0x4e: {  	[sflag:s17] =	ssyncadd.s32 $0xFFFFC000;
	s22 =	sadd.s32 $0x1, s22  }
0x4f: {  	s23 =	sshll.u32 s1, $0x6;
	s24 =	sshrl.u32 s5, $0x3;
	p0 =	sne.s32 s22, s14  }
.Ltmp3:
0x50: {  	[bflag:$0x0] =	sbarrier.arrive $0xFFFF;
	s23 =	sor.u32 $0x1C02, s23;
	(pc) =	sbr.rel @p0 .LBB2_1-.Ltmp3, $4  }
0x51: {  	[hbm:s12], [sflag:s23] =	dma.local [spmem:s24], $0x2800  }
0x52: {  	_ =	swait.ge [sflag:s17], $0x2800  }
0x53: {  	[sflag:s17] =	ssyncset.done $0x0  }
0x54: {  	[sflag:s17] =	ssyncadd.s32 $0xFFFFD800  }
0x55: {  	_ =	sfence.sel $0x180000  }
0x56: {  	[bflag:$0x0] =	sbarrier.arrive $0xFFFF  }
0x57: {  	p0 =	sne.s32 s1, $0x0;
	_ =	strace $0x9000004A  }
0x58: {  	s0 =	sadd.s32 @!p0 $0x100000, s0;
	[bflag:$0x2] =	sbarrier.arrive $0xFFFF  }
0x59: {  	[sflag:s0] =	ssyncadd.tile.s32 @!p0 $0x1;
	_ =	shalt  }
.Lfunc_end2:
_tile_overlayer_lowered:
.L_overlay_start_2:
0x5a: {  	(tag) =	ssettag $0x2  }
0x5b: {  	s0 =	rddreg [dreg:$0x0];
	s2 =	stileid.u32  }
0x5c: {  	s1 =	rddreg [dreg:$0x1];
	p0 =	sne.s32 s2, $0x0  }
0x5d: {  	s3 =	rddreg [dreg:$0x2];
	[bflag:$0x3] =	sbarrier.arrive $0xFFFF;
	s2 =	simm.s32 @!p0 $0x1C02  }
0x5e: {  	[timem:s3], [sflag:s2] =	dma.local @!p0 [hbm:s0], s1  }
0x5f: {  	s0 =	simm.s32 @!p0 $0x2  }
0x60: {  	_ =	swait.ge @!p0 [sflag:s0], s1  }
0x61: {  	s1 =	ssub.s32 @!p0 $0x0, s1;
	[sflag:s0] =	ssyncset.done @!p0 $0x0  }
0x62: {  	[sflag:s0] =	ssyncadd.s32 @!p0 s1  }
0x63: {  	[bflag:$0x3] =	sbarrier.arrive $0xFFFF  }
0x64: {  	_ =	shalt  }

// kernel: kernel.14.cloned.1.call-start
scs
__scs_entry_jumppad:
0x0: {  	(pc) =	sbr.rel $0x88, $3  }
0x1: {  	(tag) =	ssettag $0x0;
	lr =	simm.s32 $0x1  }
0x2: {  	[smem:$0x3F9B] =	sst lr;
	_ =	strace $0xD0000000  }
0x3: {  	_ = 	snop  }
0x4: {  	_ = 	snop  }
0x5: {  	_ = 	snop  }
0x6: {  	_ = 	snop  }
0x7: {  	_ = 	snop  }
__scs_overlays_trampoline_lowered:
0x8: {  	[smem:$0x3FAA] =	sst s0  }
0x9: {  	[smem:$0x3FAB] =	sst s1  }
0xa: {  	[smem:$0x3FAC] =	sst s2  }
0xb: {  	[smem:$0x3FAD] =	sst s3  }
0xc: {  	[smem:$0x3FAE] =	sst s4  }
0xd: {  	[smem:$0x3FAF] =	sst s5  }
0xe: {  	[smem:$0x3FB0] =	sst s6  }
0xf: {  	[smem:$0x3FB1] =	sst s7  }
0x10: {  	[smem:$0x3FB2] =	sst s8  }
0x11: {  	[smem:$0x3FB3] =	sst s9;
	s0 =	simm.s32 @!p0 $0x0  }
0x12: {  	s1 =	sld [smem:$0x3F99];
	s0 =	simm.s32 @p0 $0x1  }
0x13: {  	[smem:$0x3FB4] =	sst s0;
	s0 =	simm.s32 @!p1 $0x0  }
0x14: {  	s2 =	sld [smem:$0x3F98];
	s0 =	simm.s32 @p1 $0x1  }
0x15: {  	[smem:$0x3FB5] =	sst s0;
	s0 =	simm.s32 @!p2 $0x0  }
0x16: {  	s3 =	sld [smem:$0x3FDB];
	s0 =	simm.s32 @p2 $0x1  }
0x17: {  	s4 =	simm.s32 $0x1BF5;
	[smem:$0x3FB7] =	sst s0  }
0x18: {  	s0 =	sld [smem:$0x3F9A];
	_ =	swait.ge [sflag:s4], $0x0  }
0x19: {  	s7 =	sld [smem:$0x3F9B]  }
0x1a: {  	s8 =	sadd.s32 $0xFFFFE003, lr  }
0x1b: {  	s9 =	sadd.s32 $0xFFFFFEF7, lr;
	s5 =	simm.s32 $0xFFFFFFFF;
	p2 =	slt.u32 s8, $0xFFFFF086  }
0x1c: {  	p1 =	slt.u32 s9, $0xF7A;
	s5 =	simm.s32 @!p2 $0x0  }
0x1d: {  	s5 =	simm.s32 @p1 $0x1;
	p0 =	seq.s32 s7, s2  }
0x1e: {  	s7 =	smul.u32 @!p0 $0xF7A, s2;
	p2 =	seq.s32 @!p0 s5, $0x0  }
0x1f: {  	s9 =	smul.u32 $0xF7A, s1;
	s8 =	simm.s32 @!p0 $0x1BF5;
	p2 =	por !p2, p0  }
0x20: {  	[sflag:s8] =	ssyncset.s32 @!p0 $0xFFFFF086;
	s6 =	sadd.s32 @!p0 s3, s7;
	s7 =	simm.s32 @!p0 $0x108  }
0x21: {  	s3 =	sadd.s32 s3, s9;
	s6 =	sadd.s32 @!p0 $0x88, s6;
	s7 =	simm.s32 @p2 $0x1082  }
0x22: {  	[simem:s7], [sflag:s8] =	dma.local @!p0 [hbm:s6], $0xF7A  }
0x23: {  	s9 =	sor.u32 $0xD0000000, s2;
	s6 =	simm.s32 $0x108;
	_ =	swait.ge @!p0 [sflag:s8], $0x0  }
0x24: {  	s3 =	sadd.s32 $0x88, s3;
	s6 =	simm.s32 @!p1 $0x1082;
	[sflag:s4] =	ssyncset.s32 $0xFFFFF086  }
0x25: {  	[simem:s6], [sflag:s4] =	dma.local [hbm:s3], $0xF7A  }
0x26: {  	[smem:$0x3F9B] =	sst s1;
	(tag) =	ssettag s2;
	_ =	strace s9  }
0x27: {  	s1 =	sld [smem:$0x3FAB]  }
0x28: {  	s2 =	sld [smem:$0x3FAC]  }
0x29: {  	s4 =	sld [smem:$0x3FAE]  }
0x2a: {  	p0 =	seq.s32 s5, $0x0;
	s5 =	sld [smem:$0x3FAF]  }
0x2b: {  	s6 =	sld [smem:$0x3FB0]  }
0x2c: {  	s7 =	sld [smem:$0x3FB1]  }
0x2d: {  	s3 =	simm.s32 $0x108;
	s8 =	sld [smem:$0x3FB2]  }
0x2e: {  	s3 =	simm.s32 @!p0 $0x1082;
	s9 =	sld [smem:$0x3FB3]  }
0x2f: {  	lr =	sadd.s32 s0, s3;
	s0 =	sld [smem:$0x3FAA]  }
0x30: {  	s3 =	sld [smem:$0x3FAD]  }
0x31: {  	[smem:$0x3FB6] =	sst s10  }
0x32: {  	s10 =	sld [smem:$0x3FB4];
	_ =	sdelay $0x3  }
0x33: {  	p0 =	seq.s32 s10, $0x1;
	s10 =	sld [smem:$0x3FB6];
	_ =	sdelay $0x3  }
0x34: {  	[smem:$0x3FB6] =	sst s10  }
0x35: {  	s10 =	sld [smem:$0x3FB5];
	_ =	sdelay $0x3  }
0x36: {  	p1 =	seq.s32 s10, $0x1;
	s10 =	sld [smem:$0x3FB6];
	_ =	sdelay $0x3  }
0x37: {  	[smem:$0x3FB6] =	sst s10  }
0x38: {  	s10 =	sld [smem:$0x3FB7]  }
0x39: {  	_ = 	snop;
	(pc) =	sbr.ind lr, $3  }
0x3a: {  	_ = 	snop  }
0x3b: {  	_ = 	snop  }
0x3c: {  	p2 =	seq.s32 s10, $0x1;
	s10 =	sld [smem:$0x3FB6]  }
0x3d: {  	_ =	shalt  }
0x3e: {  	_ =	shalt  }
0x3f: {  	_ =	shalt  }
0x40: {  	_ =	shalt  }
0x41: {  	_ =	shalt  }
0x42: {  	_ =	shalt  }
0x43: {  	_ =	shalt  }
0x44: {  	_ =	shalt  }
0x45: {  	_ =	shalt  }
0x46: {  	_ =	shalt  }
0x47: {  	_ =	shalt  }
0x48: {  	_ =	shalt  }
0x49: {  	_ =	shalt  }
0x4a: {  	_ =	shalt  }
0x4b: {  	_ =	shalt  }
0x4c: {  	_ =	shalt  }
0x4d: {  	_ =	shalt  }
0x4e: {  	_ =	shalt  }
0x4f: {  	_ =	shalt  }
0x50: {  	_ =	shalt  }
0x51: {  	_ =	shalt  }
0x52: {  	_ =	shalt  }
0x53: {  	_ =	shalt  }
0x54: {  	_ =	shalt  }
0x55: {  	_ =	shalt  }
0x56: {  	_ =	shalt  }
0x57: {  	_ =	shalt  }
0x58: {  	_ =	shalt  }
0x59: {  	_ =	shalt  }
0x5a: {  	_ =	shalt  }
0x5b: {  	_ =	shalt  }
0x5c: {  	_ =	shalt  }
0x5d: {  	_ =	shalt  }
0x5e: {  	_ =	shalt  }
0x5f: {  	_ =	shalt  }
0x60: {  	_ =	shalt  }
0x61: {  	_ =	shalt  }
0x62: {  	_ =	shalt  }
0x63: {  	_ =	shalt  }
0x64: {  	_ =	shalt  }
0x65: {  	_ =	shalt  }
0x66: {  	_ =	shalt  }
0x67: {  	_ =	shalt  }
0x68: {  	_ =	shalt  }
0x69: {  	_ =	shalt  }
0x6a: {  	_ =	shalt  }
0x6b: {  	_ =	shalt  }
0x6c: {  	_ =	shalt  }
0x6d: {  	_ =	shalt  }
0x6e: {  	_ =	shalt  }
0x6f: {  	_ =	shalt  }
0x70: {  	_ =	shalt  }
0x71: {  	_ =	shalt  }
0x72: {  	_ =	shalt  }
0x73: {  	_ =	shalt  }
0x74: {  	_ =	shalt  }
0x75: {  	_ =	shalt  }
0x76: {  	_ =	shalt  }
0x77: {  	_ =	shalt  }
0x78: {  	_ =	shalt  }
0x79: {  	_ =	shalt  }
0x7a: {  	_ =	shalt  }
0x7b: {  	_ =	shalt  }
0x7c: {  	_ =	shalt  }
0x7d: {  	_ =	shalt  }
0x7e: {  	_ =	shalt  }
0x7f: {  	_ =	shalt  }
0x80: {  	_ =	shalt  }
0x81: {  	_ =	shalt  }
0x82: {  	_ =	shalt  }
0x83: {  	_ =	shalt  }
0x84: {  	_ =	shalt  }
0x85: {  	_ =	shalt  }
0x86: {  	_ =	shalt  }
0x87: {  	_ =	shalt  }
.Lfunc_end0:
.L_simem_size_0:
called_computation.2_lowered:
.L_overlay_start_0:
0x88: {  	s2 =	sld [smem:$0x3FD9]  }
0x89: {  	s3 =	sld [smem:$0x3FFE];
	_ =	sdelay $0x1  }
0x8a: {  	s1 =	srdreg.scid  }
0x8b: {  	s0 =	sand.u32 $0x1, s1  }
0x8c: {  	s17 =	sshll.u32 s0, $0xA;
	s2 =	sadd.s32 s3, s2  }
0x8d: {  	s2 =	sadd.s32 s2, s17  }
0x8e: {  	[smem:$0x3FC2] =	sst s2  }
0x8f: {  	_ = 	snop  }
0x90: {  	s2 =	sld [smem:$0x3FD0];
	(tm) =	ssettm $0x1  }
0x91: {  	s18 =	sld [smem:$0x3FFB];
	_ =	sdelay $0x3  }
0x92: {  	_ =	strace s18  }
0x93: {  	s3 =	sld [smem:$0x3FFC];
	_ =	sdelay $0x3  }
0x94: {  	_ =	strace s3  }
0x95: {  	s3 =	sld [smem:$0x3FFD];
	_ =	sdelay $0x3  }
0x96: {  	_ =	strace s3  }
0x97: {  	_ =	strace $0x8FFFFFFF  }
0x98: {  	s19 =	sld [smem:$0x3FDB];
	_ =	sdelay $0x1  }
0x99: {  	s4 =	simm.s32 $_scs_section_size  }
0x9a: {  	s5 =	simm.s32 $_size__tile_overlayer_lowered;
	s6 =	simm.s32 $_tile_overlayer_lowered  }
0x9b: {  	s22 =	simm.s32 $0x1BFF;
	s21 =	sshll.u32 s6, $0x1;
	s3 =	sadd.s32 s4, s19  }
0x9c: {  	s7 =	simm.s32 $0x0;
	s20 =	sshll.u32 s5, $0x1;
	s5 =	sadd.s32 s21, s3  }
0x9d: {  	[timem:s7], [sflag:s22] =	dma.local [hbm:s5], s20  }
0x9e: {  	_ =	swait.ge [sflag:s22], s20  }
0x9f: {  	s4 =	ssub.s32 $0x0, s20;
	[sflag:s22] =	ssyncset.done $0x0  }
0xa0: {  	[sflag:s22] =	ssyncadd.s32 s4;
	_ =	sdelay $0x1  }
0xa1: {  	s23 =	simm.s32 $0x1B8B  }
0xa2: {  	_ =	swait.ge [sflag:s23], $0x1  }
0xa3: {  	[sflag:s23] =	ssyncset.done $0x0  }
0xa4: {  	s25 =	simm.s32 $0x1B8E;
	s24 =	sld [smem:$0x3FFE];
	[sflag:s23] =	ssyncadd.s32 $0xFFFFFFFF  }
0xa5: {  	s26 =	simm.s32 $execute0_lowered;
	[smem:$0x3FD2] =	sst s25  }
0xa6: {  	s5 =	sshll.u32 s26, $0x1;
	_ =	strace $0x8000004C;
	[dreg:$0x1] =	wrdreg $0xFFFFFFFF  }
0xa7: {  	s28 =	simm.s32 $_size_execute0_lowered;
	s3 =	sadd.s32 s3, s5;
	[dreg:$0x0] =	wrdreg $0x0  }
0xa8: {  	s5 =	sshll.u32 s28, $0x1;
	[dreg:$0x2] =	wrdreg s3  }
0xa9: {  	[dreg:$0x3] =	wrdreg s5  }
0xaa: {  	[dreg:$0x4] =	wrdreg $0xC0  }
0xab: {  	_ =	task [dreg:s7], $0x5FFFF  }
0xac: {  	[dreg:$0x1] =	wrdreg $0xFFFFFFFF  }
0xad: {  	[dreg:$0x0] =	wrdreg $0x60  }
0xae: {  	[dreg:$0x2] =	wrdreg s24  }
0xaf: {  	[dreg:$0x3] =	wrdreg s2  }
0xb0: {  	[dreg:$0x4] =	wrdreg $0xA8000  }
0xb1: {  	[dreg:$0x5] =	wrdreg $0x9  }
0xb2: {  	_ =	task.clear_ibuf [dreg:s7], $0x6FFFF;
	_ =	strace $0x9000004C  }
0xb3: {  	s29 =	simm.s32 $0x9;
	_ =	strace $0x8000004E  }
0xb4: {  	_ =	swait.ge [sflag:s29], $0x1  }
0xb5: {  	[sflag:s29] =	ssyncadd.s32 $0xFFFFFFFF  }
0xb6: {  	_ =	strace $0x9000004E  }
0xb7: {  	_ =	sfence  }
0xb8: {  	s30 =	sld [smem:$0x0];
	_ =	sdelay $0x2  }
0xb9: {  	s31 =	sshll.u32 s1, $0xD;
	s1 =	sshrl.u32 s1, $0x2  }
0xba: {  	s3 =	sand.u32 $0x4000, s31;
	s1 =	sadd.s32 s1, s30  }
0xbb: {  	s0 =	sor.u32 s3, s0;
	s1 =	sshll.u32 s1, $0x11  }
0xbc: {  	s0 =	sor.u32 s1, s0  }
0xbd: {  	s0 =	sadd.s32 $0x8F2B, s0  }
0xbe: {  	[sflag:s0] =	ssyncadd.remote.s32 $0x1  }
0xbf: {  	_ =	sfence.sel $0xFFFF  }
0xc0: {  	[dreg:$0x0] =	wrdreg $0xFFFFFFFF;
	(pc) =	sbr.abs _section_cstart, $3  }
0xc1: {  	[dreg:$0x1] =	wrdreg $0xFFFFFFFF  }
0xc2: {  	_ =	task.clear_ibuf [dreg:s7], $0x2FFFF;
	_ =	strace $0x9FFFFFFF  }
0xc3: {  	(tm) =	ssettm $0x7FFFFFFF  }
tec
execute0_lowered:
.L_overlay_start_1:
0x0: {  	(tag) =	ssettag $0x1  }
0x1: {  	s5 =	rddreg [dreg:$0x0]  }
0x2: {  	s6 =	rddreg [dreg:$0x1]  }
0x3: {  	s2 =	rddreg [dreg:$0x2];
	s3 =	srdreg.scid  }
0x4: {  	s0 =	rddreg [dreg:$0x3];
	s1 =	stileid.u32;
	s17 =	simm.s32 $0x2  }
0x5: {  	s18 =	simm.s32 $0x3400;
	s19 =	simm.s32 $0x6800;
	s20 =	simm.s32 $0x80  }
0x6: {  	s21 =	simm.s32 $0x1;
	s22 =	simm.s32 $0x0;
	s4 =	smul.u32 $0x5000, s1  }
0x7: {  	s7 =	sand.u32 $0x1, s3;
	s3 =	simm.s32 $0x0;
	s10 =	smul.u32 $0x14000, s1  }
0x8: {  	s12 =	smul.u32 $0x50000, s1;
	s11 =	ssub.s32 $0x0, s7;
	[smem:$0x7FF] =	sst s3  }
0x9: {  	s9 =	smul.u32 $0x140000, s7;
	s7 =	ssub.s32 $0x2, s7;
	s8 =	sand.u32 $0x1C00, s11  }
0xa: {  	_ =	strace $0x8000004D;
	s31 =	sshrl.u32 s7, $0x1;
	s12 =	sshrl.u32 s12, $0x2  }
0xb: {  	s16 =	sand.u32 $0x30, s11;
	s8 =	sadd.s32 s4, s8;
	s9 =	sadd.s32 s10, s9  }
0xc: {  	s4 =	sadd.s32 $0xB600, s5;
	s8 =	sshrl.u32 s8, $0x3;
	s9 =	sshrl.u32 s9, $0x3  }
0xd: {  	s15 =	ssub.s32 s7, s31;
	s13 =	sadd.s32 s8, s5;
	s14 =	sadd.s32 s9, s5  }
0xe: {  	s5 =	sadd.s32 s12, s2;
	s6 =	sadd.s32 s6, s8;
	s7 =	sadd.s32 $0x1600, s13  }
0xf: {  	s8 =	sadd.s32 $0x4000, s5;
	s9 =	sadd.s32 $0x8000, s5;
	s10 =	sadd.s32 $0xC000, s5  }
0x10: {  	s11 =	sadd.s32 $0x10000, s5;
	s12 =	sadd.s32 $0x32800, s14;
	s13 =	sshll.u32 s16, $0x7  }
0x11: {  	v0 =	vimm.f32 $0.0e+00;
	s14 =	smax.u32 s15, $0x1;
	s15 =	ssub.s32 $0x68, s16;
	s16 =	sadd.s32 $0x3400, s13  }
.LBB2_1:
0x12: {  	[tilespmem:s3], [sflag:$0x2] =	stream.linear.gather [hbm4b:s6+s3], $0x3400, $0x38;
	[tilespmem:$0x1E800] =	vst v63  }
0x13: {  	_ =	swait.ge [sflag:s17], $0x3400  }
0x14: {  	[sflag:s17] =	ssyncset.done $0x0  }
0x15: {  	[sflag:s17] =	ssyncadd.s32 $0xFFFFCC00  }
0x16: {  	[tilespmem:s18], [sflag:$0x2] =	stream.linear.gather [hbm4b:s7+s3], $0x3400, $0x38;
	[tilespmem:$0x1E800] =	vst v63  }
0x17: {  	_ =	swait.ge [sflag:s17], $0x3400  }
0x18: {  	[sflag:s17] =	ssyncset.done $0x0  }
0x19: {  	s23 =	simm.s32 $0x0;
	s24 =	simm.s32 $0x200;
	[sflag:s17] =	ssyncadd.s32 $0xFFFFCC00  }
.LBB2_2:
0x1a: {  	p0 =	sne.s32 s24, $0xFE00;
	[tilespmem:s23+$0x6870] =	vst v0  }
0x1b: {  	[tilespmem:s23+$0x6800] =	vst v0  }
0x1c: {  	[tilespmem:s23+$0x6810] =	vst v0  }
.Ltmp0:
0x1d: {  	[tilespmem:s23+$0x6820] =	vst v0;
	(pc) =	sbr.rel @p0 .LBB2_2-.Ltmp0, $4  }
0x1e: {  	[tilespmem:s23+$0x6830] =	vst v0  }
0x1f: {  	[tilespmem:s23+$0x6840] =	vst v0  }
0x20: {  	[tilespmem:s23+$0x6850] =	vst v0  }
0x21: {  	[tilespmem:s23+$0x6860] =	vst v0;
	s23 =	sshra.s32 s24, $0x2;
	s24 =	sadd.s32 $0x200, s24  }
0x22: {  	[tilespmem:s23+$0x6870] =	vst v0  }
0x23: {  	[tilespmem:s23+$0x6800] =	vst v0  }
0x24: {  	[tilespmem:s23+$0x6810] =	vst v0  }
0x25: {  	[tilespmem:s23+$0x6820] =	vst v0  }
0x26: {  	[tilespmem:s23+$0x6830] =	vst v0  }
0x27: {  	[tilespmem:s23+$0x6840] =	vst v0  }
0x28: {  	[tilespmem:s23+$0x6850] =	vst v0  }
0x29: {  	[tilespmem:s23+$0x6860] =	vst v0  }
0x2a: {  	[spmem:s5] =	stream.linear.scatter [tilespmem:s19], [sflag:$0x2], $0x4000, $0x38;
	[tilespmem:$0x1E800] =	vst v63  }
0x2b: {  	_ =	swait.ge [sflag:s17], $0x4000  }
0x2c: {  	[sflag:s17] =	ssyncset.done $0x0  }
0x2d: {  	[sflag:s17] =	ssyncadd.s32 $0xFFFFC000  }
0x2e: {  	[spmem:s8] =	stream.linear.scatter [tilespmem:s19], [sflag:$0x2], $0x4000, $0x38;
	[tilespmem:$0x1E800] =	vst v63  }
0x2f: {  	_ =	swait.ge [sflag:s17], $0x4000  }
0x30: {  	[sflag:s17] =	ssyncset.done $0x0  }
0x31: {  	[sflag:s17] =	ssyncadd.s32 $0xFFFFC000  }
0x32: {  	[spmem:s9] =	stream.linear.scatter [tilespmem:s19], [sflag:$0x2], $0x4000, $0x38;
	[tilespmem:$0x1E800] =	vst v63  }
0x33: {  	_ =	swait.ge [sflag:s17], $0x4000  }
0x34: {  	[sflag:s17] =	ssyncset.done $0x0  }
0x35: {  	[sflag:s17] =	ssyncadd.s32 $0xFFFFC000  }
0x36: {  	[spmem:s10] =	stream.linear.scatter [tilespmem:s19], [sflag:$0x2], $0x4000, $0x38;
	[tilespmem:$0x1E800] =	vst v63  }
0x37: {  	_ =	swait.ge [sflag:s17], $0x4000  }
0x38: {  	[sflag:s17] =	ssyncset.done $0x0  }
0x39: {  	[sflag:s17] =	ssyncadd.s32 $0xFFFFC000  }
0x3a: {  	[spmem:s11] =	stream.linear.scatter [tilespmem:s19], [sflag:$0x2], $0x4000, $0x38;
	[tilespmem:$0x1E800] =	vst v63  }
0x3b: {  	_ =	swait.ge [sflag:s17], $0x4000  }
0x3c: {  	[sflag:s17] =	ssyncset.done $0x0  }
0x3d: {  	[sflag:s17] =	ssyncadd.s32 $0xFFFFC000  }
0x3e: {  	[bflag:$0x0] =	sbarrier.arrive $0xFFFF  }
0x3f: {  	[tilespmem:s19], [sflag:$0x1] =	stream.indirect.gather [hbm4b:s4+s20], $0x80, s13, s20, $0xb8;
	[tilespmem:$0x1E800] =	vst v63  }
0x40: {  	p0 =	sne.s32 s15, $0x1;
	_ =	swait.ge [sflag:s21], $0x4000  }
.Ltmp1:
0x41: {  	[sflag:s21] =	ssyncset.done $0x0;
	(pc) =	sbr.rel @!p0 .LBB2_5-.Ltmp1, $4  }
0x42: {  	[sflag:s21] =	ssyncadd.s32 $0xFFFFC000  }
0x43: {  	[spmem:s2] =	stream.indirect.scatter.add.f32 [tilespmem:s19], [sflag:$0x2], $0x80, s16, s20, $0xb8;
	[tilespmem:$0x1E800] =	vst v63  }
0x44: {  	s23 =	sadd.s32 $0xFFFFFFFF, s15;
	_ =	swait.ge [sflag:s17], $0x4000  }
0x45: {  	s24 =	smov.u32 s13;
	s25 =	smov.u32 s16;
	[sflag:s17] =	ssyncset.done $0x0  }
.LBB2_4:
0x46: {  	[sflag:s17] =	ssyncadd.s32 $0xFFFFC000;
	s24 =	sadd.s32 $0x80, s24;
	s25 =	sadd.s32 $0x80, s25  }
0x47: {  	[tilespmem:s19], [sflag:$0x1] =	stream.indirect.gather [hbm4b:s4+s20], $0x80, s24, s20, $0xb8;
	[tilespmem:$0x1E800] =	vst v63  }
0x48: {  	p0 =	sne.s32 s23, $0x1;
	s23 =	sadd.s32 $0xFFFFFFFF, s23;
	_ =	swait.ge [sflag:s21], $0x4000  }
.Ltmp2:
0x49: {  	[sflag:s21] =	ssyncset.done $0x0;
	(pc) =	sbr.rel @p0 .LBB2_4-.Ltmp2, $4  }
0x4a: {  	[sflag:s21] =	ssyncadd.s32 $0xFFFFC000  }
0x4b: {  	[spmem:s2] =	stream.indirect.scatter.add.f32 [tilespmem:s19], [sflag:$0x2], $0x80, s25, s20, $0xb8;
	[tilespmem:$0x1E800] =	vst v63  }
0x4c: {  	_ =	swait.ge [sflag:s17], $0x4000  }
0x4d: {  	[sflag:s17] =	ssyncset.done $0x0  }
.LBB2_5:
0x4e: {  	[sflag:s17] =	ssyncadd.s32 $0xFFFFC000;
	s22 =	sadd.s32 $0x1, s22  }
0x4f: {  	s23 =	sshll.u32 s1, $0x6;
	s24 =	sshrl.u32 s5, $0x3;
	p0 =	sne.s32 s22, s14  }
.Ltmp3:
0x50: {  	[bflag:$0x0] =	sbarrier.arrive $0xFFFF;
	s23 =	sor.u32 $0x1C02, s23;
	(pc) =	sbr.rel @p0 .LBB2_1-.Ltmp3, $4  }
0x51: {  	[hbm:s12], [sflag:s23] =	dma.local [spmem:s24], $0x2800  }
0x52: {  	_ =	swait.ge [sflag:s17], $0x2800  }
0x53: {  	[sflag:s17] =	ssyncset.done $0x0  }
0x54: {  	[sflag:s17] =	ssyncadd.s32 $0xFFFFD800  }
0x55: {  	_ =	sfence.sel $0x180000  }
0x56: {  	[bflag:$0x0] =	sbarrier.arrive $0xFFFF  }
0x57: {  	p0 =	sne.s32 s1, $0x0;
	_ =	strace $0x9000004D  }
0x58: {  	s0 =	sadd.s32 @!p0 $0x100000, s0;
	[bflag:$0x2] =	sbarrier.arrive $0xFFFF  }
0x59: {  	[sflag:s0] =	ssyncadd.tile.s32 @!p0 $0x1;
	_ =	shalt  }
.Lfunc_end2:
_tile_overlayer_lowered:
.L_overlay_start_2:
0x5a: {  	(tag) =	ssettag $0x2  }
0x5b: {  	s0 =	rddreg [dreg:$0x0];
	s2 =	stileid.u32  }
0x5c: {  	s1 =	rddreg [dreg:$0x1];
	p0 =	sne.s32 s2, $0x0  }
0x5d: {  	s3 =	rddreg [dreg:$0x2];
	[bflag:$0x3] =	sbarrier.arrive $0xFFFF;
	s2 =	simm.s32 @!p0 $0x1C02  }
0x5e: {  	[timem:s3], [sflag:s2] =	dma.local @!p0 [hbm:s0], s1  }
0x5f: {  	s0 =	simm.s32 @!p0 $0x2  }
0x60: {  	_ =	swait.ge @!p0 [sflag:s0], s1  }
0x61: {  	s1 =	ssub.s32 @!p0 $0x0, s1;
	[sflag:s0] =	ssyncset.done @!p0 $0x0  }
0x62: {  	[sflag:s0] =	ssyncadd.s32 @!p0 s1  }
0x63: {  	[bflag:$0x3] =	sbarrier.arrive $0xFFFF  }
0x64: {  	_ =	shalt  }

// kernel: kernel.8.cloned.1.call-start
scs
__scs_entry_jumppad:
0x0: {  	(pc) =	sbr.rel $0x88, $3  }
0x1: {  	(tag) =	ssettag $0x0;
	lr =	simm.s32 $0x1  }
0x2: {  	[smem:$0x3F9B] =	sst lr;
	_ =	strace $0xD0000000  }
0x3: {  	_ = 	snop  }
0x4: {  	_ = 	snop  }
0x5: {  	_ = 	snop  }
0x6: {  	_ = 	snop  }
0x7: {  	_ = 	snop  }
__scs_overlays_trampoline_lowered:
0x8: {  	[smem:$0x3FAA] =	sst s0  }
0x9: {  	[smem:$0x3FAB] =	sst s1  }
0xa: {  	[smem:$0x3FAC] =	sst s2  }
0xb: {  	[smem:$0x3FAD] =	sst s3  }
0xc: {  	[smem:$0x3FAE] =	sst s4  }
0xd: {  	[smem:$0x3FAF] =	sst s5  }
0xe: {  	[smem:$0x3FB0] =	sst s6  }
0xf: {  	[smem:$0x3FB1] =	sst s7  }
0x10: {  	[smem:$0x3FB2] =	sst s8  }
0x11: {  	[smem:$0x3FB3] =	sst s9;
	s0 =	simm.s32 @!p0 $0x0  }
0x12: {  	s1 =	sld [smem:$0x3F99];
	s0 =	simm.s32 @p0 $0x1  }
0x13: {  	[smem:$0x3FB4] =	sst s0;
	s0 =	simm.s32 @!p1 $0x0  }
0x14: {  	s2 =	sld [smem:$0x3F98];
	s0 =	simm.s32 @p1 $0x1  }
0x15: {  	[smem:$0x3FB5] =	sst s0;
	s0 =	simm.s32 @!p2 $0x0  }
0x16: {  	s3 =	sld [smem:$0x3FDB];
	s0 =	simm.s32 @p2 $0x1  }
0x17: {  	s4 =	simm.s32 $0x1BF5;
	[smem:$0x3FB7] =	sst s0  }
0x18: {  	s0 =	sld [smem:$0x3F9A];
	_ =	swait.ge [sflag:s4], $0x0  }
0x19: {  	s7 =	sld [smem:$0x3F9B]  }
0x1a: {  	s8 =	sadd.s32 $0xFFFFE003, lr  }
0x1b: {  	s9 =	sadd.s32 $0xFFFFFEF7, lr;
	s5 =	simm.s32 $0xFFFFFFFF;
	p2 =	slt.u32 s8, $0xFFFFF086  }
0x1c: {  	p1 =	slt.u32 s9, $0xF7A;
	s5 =	simm.s32 @!p2 $0x0  }
0x1d: {  	s5 =	simm.s32 @p1 $0x1;
	p0 =	seq.s32 s7, s2  }
0x1e: {  	s7 =	smul.u32 @!p0 $0xF7A, s2;
	p2 =	seq.s32 @!p0 s5, $0x0  }
0x1f: {  	s9 =	smul.u32 $0xF7A, s1;
	s8 =	simm.s32 @!p0 $0x1BF5;
	p2 =	por !p2, p0  }
0x20: {  	[sflag:s8] =	ssyncset.s32 @!p0 $0xFFFFF086;
	s6 =	sadd.s32 @!p0 s3, s7;
	s7 =	simm.s32 @!p0 $0x108  }
0x21: {  	s3 =	sadd.s32 s3, s9;
	s6 =	sadd.s32 @!p0 $0x88, s6;
	s7 =	simm.s32 @p2 $0x1082  }
0x22: {  	[simem:s7], [sflag:s8] =	dma.local @!p0 [hbm:s6], $0xF7A  }
0x23: {  	s9 =	sor.u32 $0xD0000000, s2;
	s6 =	simm.s32 $0x108;
	_ =	swait.ge @!p0 [sflag:s8], $0x0  }
0x24: {  	s3 =	sadd.s32 $0x88, s3;
	s6 =	simm.s32 @!p1 $0x1082;
	[sflag:s4] =	ssyncset.s32 $0xFFFFF086  }
0x25: {  	[simem:s6], [sflag:s4] =	dma.local [hbm:s3], $0xF7A  }
0x26: {  	[smem:$0x3F9B] =	sst s1;
	(tag) =	ssettag s2;
	_ =	strace s9  }
0x27: {  	s1 =	sld [smem:$0x3FAB]  }
0x28: {  	s2 =	sld [smem:$0x3FAC]  }
0x29: {  	s4 =	sld [smem:$0x3FAE]  }
0x2a: {  	p0 =	seq.s32 s5, $0x0;
	s5 =	sld [smem:$0x3FAF]  }
0x2b: {  	s6 =	sld [smem:$0x3FB0]  }
0x2c: {  	s7 =	sld [smem:$0x3FB1]  }
0x2d: {  	s3 =	simm.s32 $0x108;
	s8 =	sld [smem:$0x3FB2]  }
0x2e: {  	s3 =	simm.s32 @!p0 $0x1082;
	s9 =	sld [smem:$0x3FB3]  }
0x2f: {  	lr =	sadd.s32 s0, s3;
	s0 =	sld [smem:$0x3FAA]  }
0x30: {  	s3 =	sld [smem:$0x3FAD]  }
0x31: {  	[smem:$0x3FB6] =	sst s10  }
0x32: {  	s10 =	sld [smem:$0x3FB4];
	_ =	sdelay $0x3  }
0x33: {  	p0 =	seq.s32 s10, $0x1;
	s10 =	sld [smem:$0x3FB6];
	_ =	sdelay $0x3  }
0x34: {  	[smem:$0x3FB6] =	sst s10  }
0x35: {  	s10 =	sld [smem:$0x3FB5];
	_ =	sdelay $0x3  }
0x36: {  	p1 =	seq.s32 s10, $0x1;
	s10 =	sld [smem:$0x3FB6];
	_ =	sdelay $0x3  }
0x37: {  	[smem:$0x3FB6] =	sst s10  }
0x38: {  	s10 =	sld [smem:$0x3FB7]  }
0x39: {  	_ = 	snop;
	(pc) =	sbr.ind lr, $3  }
0x3a: {  	_ = 	snop  }
0x3b: {  	_ = 	snop  }
0x3c: {  	p2 =	seq.s32 s10, $0x1;
	s10 =	sld [smem:$0x3FB6]  }
0x3d: {  	_ =	shalt  }
0x3e: {  	_ =	shalt  }
0x3f: {  	_ =	shalt  }
0x40: {  	_ =	shalt  }
0x41: {  	_ =	shalt  }
0x42: {  	_ =	shalt  }
0x43: {  	_ =	shalt  }
0x44: {  	_ =	shalt  }
0x45: {  	_ =	shalt  }
0x46: {  	_ =	shalt  }
0x47: {  	_ =	shalt  }
0x48: {  	_ =	shalt  }
0x49: {  	_ =	shalt  }
0x4a: {  	_ =	shalt  }
0x4b: {  	_ =	shalt  }
0x4c: {  	_ =	shalt  }
0x4d: {  	_ =	shalt  }
0x4e: {  	_ =	shalt  }
0x4f: {  	_ =	shalt  }
0x50: {  	_ =	shalt  }
0x51: {  	_ =	shalt  }
0x52: {  	_ =	shalt  }
0x53: {  	_ =	shalt  }
0x54: {  	_ =	shalt  }
0x55: {  	_ =	shalt  }
0x56: {  	_ =	shalt  }
0x57: {  	_ =	shalt  }
0x58: {  	_ =	shalt  }
0x59: {  	_ =	shalt  }
0x5a: {  	_ =	shalt  }
0x5b: {  	_ =	shalt  }
0x5c: {  	_ =	shalt  }
0x5d: {  	_ =	shalt  }
0x5e: {  	_ =	shalt  }
0x5f: {  	_ =	shalt  }
0x60: {  	_ =	shalt  }
0x61: {  	_ =	shalt  }
0x62: {  	_ =	shalt  }
0x63: {  	_ =	shalt  }
0x64: {  	_ =	shalt  }
0x65: {  	_ =	shalt  }
0x66: {  	_ =	shalt  }
0x67: {  	_ =	shalt  }
0x68: {  	_ =	shalt  }
0x69: {  	_ =	shalt  }
0x6a: {  	_ =	shalt  }
0x6b: {  	_ =	shalt  }
0x6c: {  	_ =	shalt  }
0x6d: {  	_ =	shalt  }
0x6e: {  	_ =	shalt  }
0x6f: {  	_ =	shalt  }
0x70: {  	_ =	shalt  }
0x71: {  	_ =	shalt  }
0x72: {  	_ =	shalt  }
0x73: {  	_ =	shalt  }
0x74: {  	_ =	shalt  }
0x75: {  	_ =	shalt  }
0x76: {  	_ =	shalt  }
0x77: {  	_ =	shalt  }
0x78: {  	_ =	shalt  }
0x79: {  	_ =	shalt  }
0x7a: {  	_ =	shalt  }
0x7b: {  	_ =	shalt  }
0x7c: {  	_ =	shalt  }
0x7d: {  	_ =	shalt  }
0x7e: {  	_ =	shalt  }
0x7f: {  	_ =	shalt  }
0x80: {  	_ =	shalt  }
0x81: {  	_ =	shalt  }
0x82: {  	_ =	shalt  }
0x83: {  	_ =	shalt  }
0x84: {  	_ =	shalt  }
0x85: {  	_ =	shalt  }
0x86: {  	_ =	shalt  }
0x87: {  	_ =	shalt  }
.Lfunc_end0:
.L_simem_size_0:
called_computation_lowered:
.L_overlay_start_0:
0x88: {  	s2 =	sld [smem:$0x3FD9]  }
0x89: {  	s3 =	sld [smem:$0x3FFE];
	_ =	sdelay $0x1  }
0x8a: {  	s1 =	srdreg.scid  }
0x8b: {  	s0 =	sand.u32 $0x1, s1  }
0x8c: {  	s17 =	sshll.u32 s0, $0xA;
	s2 =	sadd.s32 s3, s2  }
0x8d: {  	s2 =	sadd.s32 s2, s17  }
0x8e: {  	[smem:$0x3FC2] =	sst s2  }
0x8f: {  	_ = 	snop  }
0x90: {  	s2 =	sld [smem:$0x3FD0];
	(tm) =	ssettm $0x1  }
0x91: {  	s18 =	sld [smem:$0x3FFB];
	_ =	sdelay $0x3  }
0x92: {  	_ =	strace s18  }
0x93: {  	s3 =	sld [smem:$0x3FFC];
	_ =	sdelay $0x3  }
0x94: {  	_ =	strace s3  }
0x95: {  	s3 =	sld [smem:$0x3FFD];
	_ =	sdelay $0x3  }
0x96: {  	_ =	strace s3  }
0x97: {  	_ =	strace $0x8FFFFFFF  }
0x98: {  	s19 =	sld [smem:$0x3FDB];
	_ =	sdelay $0x1  }
0x99: {  	s4 =	simm.s32 $_scs_section_size  }
0x9a: {  	s5 =	simm.s32 $_size__tile_overlayer_lowered;
	s6 =	simm.s32 $_tile_overlayer_lowered  }
0x9b: {  	s22 =	simm.s32 $0x1BFF;
	s21 =	sshll.u32 s6, $0x1;
	s3 =	sadd.s32 s4, s19  }
0x9c: {  	s7 =	simm.s32 $0x0;
	s20 =	sshll.u32 s5, $0x1;
	s5 =	sadd.s32 s21, s3  }
0x9d: {  	[timem:s7], [sflag:s22] =	dma.local [hbm:s5], s20  }
0x9e: {  	_ =	swait.ge [sflag:s22], s20  }
0x9f: {  	s4 =	ssub.s32 $0x0, s20;
	[sflag:s22] =	ssyncset.done $0x0  }
0xa0: {  	[sflag:s22] =	ssyncadd.s32 s4;
	_ =	sdelay $0x1  }
0xa1: {  	s23 =	simm.s32 $0x1B8B  }
0xa2: {  	_ =	swait.ge [sflag:s23], $0x1  }
0xa3: {  	[sflag:s23] =	ssyncset.done $0x0  }
0xa4: {  	s25 =	simm.s32 $0x1B8E;
	s24 =	sld [smem:$0x3FFE];
	[sflag:s23] =	ssyncadd.s32 $0xFFFFFFFF  }
0xa5: {  	s26 =	simm.s32 $execute0_lowered;
	[smem:$0x3FD2] =	sst s25  }
0xa6: {  	s5 =	sshll.u32 s26, $0x1;
	_ =	strace $0x80000046;
	[dreg:$0x1] =	wrdreg $0xFFFFFFFF  }
0xa7: {  	s28 =	simm.s32 $_size_execute0_lowered;
	s3 =	sadd.s32 s3, s5;
	[dreg:$0x0] =	wrdreg $0x0  }
0xa8: {  	s5 =	sshll.u32 s28, $0x1;
	[dreg:$0x2] =	wrdreg s3  }
0xa9: {  	[dreg:$0x3] =	wrdreg s5  }
0xaa: {  	[dreg:$0x4] =	wrdreg $0xC0  }
0xab: {  	_ =	task [dreg:s7], $0x5FFFF  }
0xac: {  	[dreg:$0x1] =	wrdreg $0xFFFFFFFF  }
0xad: {  	[dreg:$0x0] =	wrdreg $0x60  }
0xae: {  	[dreg:$0x2] =	wrdreg s2  }
0xaf: {  	[dreg:$0x3] =	wrdreg s24  }
0xb0: {  	[dreg:$0x4] =	wrdreg $0x53000  }
0xb1: {  	[dreg:$0x5] =	wrdreg $0x55800  }
0xb2: {  	[dreg:$0x6] =	wrdreg $0x9  }
0xb3: {  	_ =	task.clear_ibuf [dreg:s7], $0x7FFFF;
	_ =	strace $0x90000046  }
0xb4: {  	s29 =	simm.s32 $0x9;
	_ =	strace $0x80000048  }
0xb5: {  	_ =	swait.ge [sflag:s29], $0x1  }
0xb6: {  	[sflag:s29] =	ssyncadd.s32 $0xFFFFFFFF  }
0xb7: {  	_ =	strace $0x90000048  }
0xb8: {  	_ =	sfence  }
0xb9: {  	s30 =	sld [smem:$0x0];
	_ =	sdelay $0x2  }
0xba: {  	s31 =	sshll.u32 s1, $0xD;
	s1 =	sshrl.u32 s1, $0x2  }
0xbb: {  	s3 =	sand.u32 $0x4000, s31;
	s1 =	sadd.s32 s1, s30  }
0xbc: {  	s0 =	sor.u32 s3, s0;
	s1 =	sshll.u32 s1, $0x11  }
0xbd: {  	s0 =	sor.u32 s1, s0  }
0xbe: {  	s0 =	sadd.s32 $0x8F2B, s0  }
0xbf: {  	[sflag:s0] =	ssyncadd.remote.s32 $0x1  }
0xc0: {  	_ =	sfence.sel $0xFFFF  }
0xc1: {  	[dreg:$0x0] =	wrdreg $0xFFFFFFFF;
	(pc) =	sbr.abs _section_cstart, $3  }
0xc2: {  	[dreg:$0x1] =	wrdreg $0xFFFFFFFF  }
0xc3: {  	_ =	task.clear_ibuf [dreg:s7], $0x2FFFF;
	_ =	strace $0x9FFFFFFF  }
0xc4: {  	(tm) =	ssettm $0x7FFFFFFF  }
0xc5: {  	_ =	shalt  }
tec
execute0_lowered:
.L_overlay_start_1:
0x0: {  	(tag) =	ssettag $0x1  }
0x1: {  	s5 =	rddreg [dreg:$0x0]  }
0x2: {  	s7 =	rddreg [dreg:$0x1]  }
0x3: {  	s0 =	srdreg.scid;
	s2 =	rddreg [dreg:$0x2]  }
0x4: {  	s3 =	rddreg [dreg:$0x3];
	s4 =	simm.s32 $0x0;
	s15 =	simm.s32 $0x80  }
0x5: {  	s16 =	simm.s32 $0x5000;
	s19 =	simm.s32 $0x20;
	s6 =	sand.u32 $0x1, s0  }
0x6: {  	s20 =	simm.s32 $0x10;
	s0 =	stileid.u32;
	s9 =	smul.u32 $0x5000, s6  }
0x7: {  	s22 =	simm.s32 $0x0;
	[smem:$0x7FF] =	sst s4;
	s10 =	smul.u32 $0x500, s0  }
0x8: {  	s1 =	sshll.u32 s6, $0x4;
	s6 =	ssub.s32 $0x2, s6;
	s12 =	smul.u32 $0x280, s0  }
0x9: {  	s17 =	sshll.u32 s0, $0x6;
	s1 =	sor.u32 s0, s1;
	s31 =	sshrl.u32 s6, $0x1  }
0xa: {  	s17 =	sor.u32 $0x1C01, s17;
	s8 =	smul.u32 $0x500, s1;
	s9 =	sadd.s32 s10, s9  }
0xb: {  	s1 =	rddreg [dreg:$0x4];
	_ =	strace $0x80000047;
	s9 =	sshrl.u32 s9, $0x3  }
0xc: {  	s14 =	ssub.s32 s6, s31;
	s11 =	sadd.s32 s8, s7;
	s13 =	sadd.s32 s9, s7  }
0xd: {  	s5 =	sadd.s32 s5, s8;
	s7 =	sadd.s32 s12, s2;
	s8 =	sadd.s32 s12, s3  }
0xe: {  	s12 =	simm.s32 $0x1;
	s6 =	sadd.s32 $0x1600, s11;
	s9 =	sadd.s32 $0xB600, s13  }
0xf: {  	s10 =	sadd.s32 $0xB610, s13;
	s11 =	smax.u32 s14, $0x1;
	s13 =	simm.s32 $0x2800  }
0x10: {  	v0 =	vimm.f32 $1.000000000e+00;
	v1 =	vimm.f32 $0.0e+00;
	s14 =	simm.s32 $0x5080;
	s18 =	sshrl.u32 s7, $0x3;
	s21 =	sshrl.u32 s8, $0x3  }
.LBB2_1:
0x11: {  	[tilespmem:s4], [sflag:$0x1] =	stream.linear.gather [hbm4b:s5+s4], $0x2800, $0x38;
	[tilespmem:$0x5800] =	vst v63  }
0x12: {  	_ =	swait.ge [sflag:s12], $0x2800  }
0x13: {  	[sflag:s12] =	ssyncset.done $0x0  }
0x14: {  	[sflag:s12] =	ssyncadd.s32 $0xFFFFD800  }
0x15: {  	[tilespmem:s13], [sflag:$0x1] =	stream.linear.gather [hbm4b:s6+s4], $0x2800, $0x38;
	[tilespmem:$0x5800] =	vst v63  }
0x16: {  	_ =	swait.ge [sflag:s12], $0x2800  }
0x17: {  	[sflag:s12] =	ssyncset.done $0x0  }
0x18: {  	[sflag:s12] =	ssyncadd.s32 $0xFFFFD800  }
0x19: {  	[tilespmem:$0x5000] =	vst v0  }
0x1a: {  	[tilespmem:$0x5010] =	vst v0  }
0x1b: {  	[tilespmem:$0x5020] =	vst v0  }
0x1c: {  	[tilespmem:$0x5030] =	vst v0  }
0x1d: {  	[tilespmem:$0x5040] =	vst v0  }
0x1e: {  	[tilespmem:$0x5050] =	vst v0  }
0x1f: {  	[tilespmem:$0x5060] =	vst v0  }
0x20: {  	[tilespmem:$0x5070] =	vst v0  }
0x21: {  	[tilespmem:$0x5080] =	vst v1  }
0x22: {  	[tilespmem:$0x5090] =	vst v1  }
0x23: {  	[tilespmem:$0x50A0] =	vst v1  }
0x24: {  	[tilespmem:$0x50B0] =	vst v1  }
0x25: {  	[tilespmem:$0x50C0] =	vst v1  }
0x26: {  	[tilespmem:$0x50D0] =	vst v1  }
0x27: {  	[tilespmem:$0x50E0] =	vst v1  }
0x28: {  	[tilespmem:$0x50F0] =	vst v1  }
0x29: {  	[tilespmem:$0x5100] =	vst v1  }
0x2a: {  	[tilespmem:$0x5110] =	vst v1  }
0x2b: {  	[tilespmem:$0x5120] =	vst v1  }
0x2c: {  	[tilespmem:$0x5130] =	vst v1  }
0x2d: {  	[tilespmem:$0x5140] =	vst v1  }
0x2e: {  	[tilespmem:$0x5150] =	vst v1  }
0x2f: {  	[tilespmem:$0x5160] =	vst v1  }
0x30: {  	[tilespmem:$0x5170] =	vst v1  }
0x31: {  	[tilespmem:$0x5180] =	vst v1  }
0x32: {  	[tilespmem:$0x5190] =	vst v1  }
0x33: {  	[tilespmem:$0x51A0] =	vst v1  }
0x34: {  	[tilespmem:$0x51B0] =	vst v1  }
0x35: {  	[tilespmem:$0x51C0] =	vst v1  }
0x36: {  	[tilespmem:$0x51D0] =	vst v1  }
0x37: {  	[tilespmem:$0x51E0] =	vst v1  }
0x38: {  	[tilespmem:$0x51F0] =	vst v1  }
0x39: {  	[tilespmem:$0x5200] =	vst v1  }
0x3a: {  	[tilespmem:$0x5210] =	vst v1  }
0x3b: {  	[tilespmem:$0x5220] =	vst v1  }
0x3c: {  	[tilespmem:$0x5230] =	vst v1  }
0x3d: {  	[tilespmem:$0x5240] =	vst v1  }
0x3e: {  	[tilespmem:$0x5250] =	vst v1  }
0x3f: {  	[tilespmem:$0x5260] =	vst v1  }
0x40: {  	[tilespmem:$0x5270] =	vst v1  }
0x41: {  	[tilespmem:$0x5280] =	vst v1  }
0x42: {  	[tilespmem:$0x5290] =	vst v1  }
0x43: {  	[tilespmem:$0x52A0] =	vst v1  }
0x44: {  	[tilespmem:$0x52B0] =	vst v1  }
0x45: {  	[tilespmem:$0x52C0] =	vst v1  }
0x46: {  	[tilespmem:$0x52D0] =	vst v1  }
0x47: {  	[tilespmem:$0x52E0] =	vst v1  }
0x48: {  	[tilespmem:$0x52F0] =	vst v1  }
0x49: {  	[spmem:s7] =	stream.linear.scatter [tilespmem:s14], [sflag:$0x1], $0x280, $0x38;
	[tilespmem:$0x5800] =	vst v63  }
0x4a: {  	_ =	swait.ge [sflag:s12], $0x280  }
0x4b: {  	[sflag:s12] =	ssyncset.done $0x0  }
0x4c: {  	[sflag:s12] =	ssyncadd.s32 $0xFFFFFD80  }
0x4d: {  	[spmem:s8] =	stream.linear.scatter [tilespmem:s14], [sflag:$0x1], $0x280, $0x38;
	[tilespmem:$0x5800] =	vst v63  }
0x4e: {  	_ =	swait.ge [sflag:s12], $0x280  }
0x4f: {  	[sflag:s12] =	ssyncset.done $0x0  }
0x50: {  	[sflag:s12] =	ssyncadd.s32 $0xFFFFFD80  }
0x51: {  	s23 =	simm.s32 $0x0;
	[bflag:$0x0] =	sbarrier.arrive $0xFFFF  }
0x52: {  	[spmem:s2] =	stream.indirect.scatter.add.f32 [tilespmem:s16], [sflag:$0x1], $0x1, s23, s15, $0xb8;
	[tilespmem:$0x5800] =	vst v63  }
0x53: {  	_ =	swait.ge [sflag:s12], $0x80  }
0x54: {  	[sflag:s12] =	ssyncset.done $0x0  }
0x55: {  	s31 =	simm.s32 $0x2800;
	[sflag:s12] =	ssyncadd.s32 $0xFFFFFF80  }
0x56: {  	[spmem:s3] =	stream.indirect.scatter.add.f32 [tilespmem:s16], [sflag:$0x1], $0x1, s31, s15, $0xb8;
	[tilespmem:$0x5800] =	vst v63  }
0x57: {  	_ =	swait.ge [sflag:s12], $0x80  }
0x58: {  	s24 =	simm.s32 $0x400;
	s23 =	simm.s32 $0x200;
	[sflag:s12] =	ssyncset.done $0x0  }
.LBB2_2:
0x59: {  	s25 =	sshra.s32 s23, $0x2  }
0x5a: {  	[sflag:s12] =	ssyncadd.s32 $0xFFFFFF80;
	s23 =	smov.u32 s24;
	s26 =	sadd.s32 $0x200, s24  }
0x5b: {  	[spmem:s2] =	stream.indirect.scatter.add.f32 [tilespmem:s16], [sflag:$0x1], $0x1, s25, s15, $0xb8;
	[tilespmem:$0x5800] =	vst v63  }
0x5c: {  	p0 =	sne.s32 s24, $0x9E00;
	_ =	swait.ge [sflag:s12], $0x80  }
.Ltmp0:
0x5d: {  	[sflag:s12] =	ssyncset.done $0x0;
	(pc) =	sbr.rel @p0 .LBB2_2-.Ltmp0, $4  }
0x5e: {  	s24 =	sadd.s32 $0x2800, s25;
	[sflag:s12] =	ssyncadd.s32 $0xFFFFFF80  }
0x5f: {  	[spmem:s3] =	stream.indirect.scatter.add.f32 [tilespmem:s16], [sflag:$0x1], $0x1, s24, s15, $0xb8;
	[tilespmem:$0x5800] =	vst v63  }
0x60: {  	_ =	swait.ge [sflag:s12], $0x80  }
0x61: {  	s24 =	smov.u32 s26;
	[sflag:s12] =	ssyncset.done $0x0  }
0x62: {  	s23 =	sshra.s32 s23, $0x2;
	[sflag:s12] =	ssyncadd.s32 $0xFFFFFF80  }
0x63: {  	[spmem:s2] =	stream.indirect.scatter.add.f32 [tilespmem:s16], [sflag:$0x1], $0x1, s23, s15, $0xb8;
	[tilespmem:$0x5800] =	vst v63  }
0x64: {  	_ =	swait.ge [sflag:s12], $0x80  }
0x65: {  	[sflag:s12] =	ssyncset.done $0x0  }
0x66: {  	s23 =	sadd.s32 $0x2800, s23;
	[sflag:s12] =	ssyncadd.s32 $0xFFFFFF80  }
0x67: {  	[spmem:s3] =	stream.indirect.scatter.add.f32 [tilespmem:s16], [sflag:$0x1], $0x1, s23, s15, $0xb8;
	[tilespmem:$0x5800] =	vst v63  }
0x68: {  	_ =	swait.ge [sflag:s12], $0x80  }
0x69: {  	[sflag:s12] =	ssyncset.done $0x0  }
0x6a: {  	[sflag:s12] =	ssyncadd.s32 $0xFFFFFF80  }
0x6b: {  	[bflag:$0x0] =	sbarrier.arrive $0xFFFF  }
0x6c: {  	[hbm:s9@s19], [sflag:s17] =	dma.strided [spmem:s18@s20], $0x50, s12, $0x10   }
0x6d: {  	s22 =	sadd.s32 $0x1, s22;
	_ =	swait.ge [sflag:s12], $0x50  }
0x6e: {  	p0 =	sne.s32 s22, s11;
	[sflag:s12] =	ssyncset.done $0x0  }
.Ltmp1:
0x6f: {  	[sflag:s12] =	ssyncadd.s32 $0xFFFFFFB0;
	(pc) =	sbr.rel @p0 .LBB2_1-.Ltmp1, $4  }
0x70: {  	[hbm:s10@s19], [sflag:s17] =	dma.strided [spmem:s21@s20], $0x50, s12, $0x10   }
0x71: {  	_ =	swait.ge [sflag:s12], $0x50  }
0x72: {  	[sflag:s12] =	ssyncset.done $0x0  }
0x73: {  	[sflag:s12] =	ssyncadd.s32 $0xFFFFFFB0  }
0x74: {  	_ =	sfence.sel $0x180000  }
0x75: {  	[bflag:$0x0] =	sbarrier.arrive $0xFFFF  }
0x76: {  	p0 =	sne.s32 s0, $0x0;
	_ =	strace $0x90000047  }
0x77: {  	s0 =	sadd.s32 @!p0 $0x100000, s1;
	[bflag:$0x2] =	sbarrier.arrive $0xFFFF  }
0x78: {  	[sflag:s0] =	ssyncadd.tile.s32 @!p0 $0x1;
	_ =	shalt  }
.Lfunc_end2:
_tile_overlayer_lowered:
.L_overlay_start_2:
0x79: {  	(tag) =	ssettag $0x2  }
0x7a: {  	s0 =	rddreg [dreg:$0x0];
	s2 =	stileid.u32  }
0x7b: {  	s1 =	rddreg [dreg:$0x1];
	p0 =	sne.s32 s2, $0x0  }
0x7c: {  	s3 =	rddreg [dreg:$0x2];
	[bflag:$0x3] =	sbarrier.arrive $0xFFFF;
	s2 =	simm.s32 @!p0 $0x1C01  }
0x7d: {  	[timem:s3], [sflag:s2] =	dma.local @!p0 [hbm:s0], s1  }
0x7e: {  	s0 =	simm.s32 @!p0 $0x1  }
0x7f: {  	_ =	swait.ge @!p0 [sflag:s0], s1  }
0x80: {  	s1 =	ssub.s32 @!p0 $0x0, s1;
	[sflag:s0] =	ssyncset.done @!p0 $0x0  }
0x81: {  	[sflag:s0] =	ssyncadd.s32 @!p0 s1  }
0x82: {  	[bflag:$0x3] =	sbarrier.arrive $0xFFFF  }
0x83: {  	_ =	shalt  }

</sc_bundles>
